<compile_context>
chip_gen: v7x
topology: tpu7x:2x2x1
jax: 0.10.2.dev20260603
libtpu: 0.0.44.dev20260713+nightly
codegen_flags: <defaults>
</compile_context>

<pallas_src>
import functools

import jax
import jax.numpy as jnp
from jax import lax
from jax.experimental import pallas as pl
from jax.experimental.pallas import tpu as pltpu
from jax.experimental.pallas import tpu_sc as plsc

IC = 128
NGROUP = 32
CPG = IC // NGROUP
EPSV = 1e-5
NSEG = 16

BLK = 80
NW = 32


def _sc_stats_body(nblk, data_h, bid_h, s1_o, s2_o,
                   x_v, x2_v, bid_v, z_v, s1_sh, s2_sh):
    c = lax.axis_index("c")
    s = lax.axis_index("s")
    w = s * 2 + c

    @pl.when(s == 0)
    def _():
        zv = jnp.zeros((16,), jnp.float32)
        for r in range(NSEG):
            for q in range(IC // 16):
                z_v[r, pl.ds(q * 16, 16)] = zv
        pltpu.sync_copy(z_v, s1_sh)
        pltpu.sync_copy(z_v, s2_sh)

    plsc.subcore_barrier()

    def iter_body(it, carry):
        blk = it * NW + w

        @pl.when(blk < nblk)
        def _():
            base = blk * BLK
            pltpu.sync_copy(bid_h.at[pl.ds(base, BLK)], bid_v)
            pltpu.sync_copy(data_h.at[pl.ds(base, BLK)], x_v)
            pltpu.sync_copy(x_v, s1_sh.at[bid_v], add=True)

            def row_body(r, rc):
                for q in range(IC // 16):
                    v = x_v[r, pl.ds(q * 16, 16)]
                    x2_v[r, pl.ds(q * 16, 16)] = v * v
                return rc

            lax.fori_loop(0, BLK, row_body, 0)
            pltpu.sync_copy(x2_v, s2_sh.at[bid_v], add=True)

        return carry

    lax.fori_loop(0, (nblk + NW - 1) // NW, iter_body, 0)
    plsc.subcore_barrier()

    @pl.when(s == 0)
    def _():
        pltpu.sync_copy(s1_sh, s1_o.at[c])
        pltpu.sync_copy(s2_sh, s2_o.at[c])


def _sc_stats(data, bid):
    n = data.shape[0]
    nblk = n // BLK
    assert nblk * BLK == n
    mesh = plsc.VectorSubcoreMesh(core_axis_name="c", subcore_axis_name="s")
    f = pl.kernel(
        functools.partial(_sc_stats_body, nblk),
        out_type=[
            jax.ShapeDtypeStruct((2, NSEG, IC), jnp.float32),
            jax.ShapeDtypeStruct((2, NSEG, IC), jnp.float32),
        ],
        mesh=mesh,
        scratch_types=[
            pltpu.VMEM((BLK, IC), jnp.float32),
            pltpu.VMEM((BLK, IC), jnp.float32),
            pltpu.VMEM((BLK,), jnp.int32),
            pltpu.VMEM((NSEG, IC), jnp.float32),
            pltpu.VMEM_SHARED((NSEG, IC), jnp.float32),
            pltpu.VMEM_SHARED((NSEG, IC), jnp.float32),
        ],
    )
    return f(data, bid)


def _gpool(t):
    s = t
    for k in range(1, CPG):
        s = s + pltpu.roll(t, IC - k, 1)
    lane = lax.broadcasted_iota(jnp.int32, t.shape, 1)
    lead = jnp.where(lane % CPG == 0, s, 0.0)
    s = lead
    for k in range(1, CPG):
        s = s + pltpu.roll(lead, k, 1)
    return s


def _seg_mask(bid_row, rows):
    seg = lax.broadcasted_iota(jnp.int32, (NSEG, rows), 0)
    return bid_row[None, :] == seg


def _apply_body(rows, s1p_ref, s2p_ref, cnt_ref, x_ref, bid_ref,
                w_ref, b_ref, o_ref, tab):
    j = pl.program_id(0)

    @pl.when(j == 0)
    def _():
        s1c = s1p_ref[0] + s1p_ref[1]
        s2c = s2p_ref[0] + s2p_ref[1]
        cc = cnt_ref[...]
        ic = 1.0 / (cc * CPG + EPSV)
        a1 = _gpool(s1c)
        a2 = _gpool(s2c)
        mg = a1 * ic
        var = ic * (a2 - 2.0 * mg * a1 + cc * CPG * mg * mg)
        istd = lax.rsqrt(var + EPSV)
        scale = istd * w_ref[...]
        shift = b_ref[...] - mg * scale
        tab[...] = jnp.concatenate([scale, shift],
                                   axis=1).astype(jnp.bfloat16)

    x = x_ref[...]
    oht = _seg_mask(bid_ref[0, 0, :], rows).astype(jnp.bfloat16)
    rsh = lax.dot_general(oht, tab[...], (((0,), (0,)), ((), ())),
                          preferred_element_type=jnp.float32)
    o_ref[...] = x * rsh[:, :IC] + rsh[:, IC:]


def kernel(data, batch_id, batch_size, weights, bias):
    n, c = data.shape
    bid = batch_id.astype(jnp.int32)
    s1p, s2p = _sc_stats(data, bid)
    seg_start = jnp.searchsorted(bid, jnp.arange(NSEG + 1), side="left")
    cnt = (seg_start[1:] - seg_start[:-1]).astype(jnp.float32).reshape(NSEG, 1)

    rows = 2000
    nblocks = n // rows
    bid3 = bid.reshape(nblocks, 1, rows)
    out = pl.pallas_call(
        functools.partial(_apply_body, rows),
        grid=(nblocks,),
        in_specs=[
            pl.BlockSpec((2, NSEG, c), lambda j: (0, 0, 0)),
            pl.BlockSpec((2, NSEG, c), lambda j: (0, 0, 0)),
            pl.BlockSpec((NSEG, 1), lambda j: (0, 0)),
            pl.BlockSpec((rows, c), lambda j: (j, 0)),
            pl.BlockSpec((1, 1, rows), lambda j: (j, 0, 0)),
            pl.BlockSpec((1, c), lambda j: (0, 0)),
            pl.BlockSpec((1, c), lambda j: (0, 0)),
        ],
        out_specs=pl.BlockSpec((rows, c), lambda j: (j, 0)),
        out_shape=jax.ShapeDtypeStruct((n, c), jnp.float32),
        scratch_shapes=[pltpu.VMEM((NSEG, 2 * c), jnp.bfloat16)],
        compiler_params=pltpu.CompilerParams(
            dimension_semantics=("arbitrary",)),
    )(s1p, s2p, cnt, data, bid3, weights, bias)
    return out

# --- scband reference (transcript-rebuilt; emitter-appended) ---
"""Pipeline reference for scband-dual-octree-group-norm-15487652069472 (READ-ONLY COPY).

The authoritative reference and input builder live on the scoring server;
editing this copy changes nothing except your own understanding.
"""

import jax, jax.numpy as jnp
import numpy as np

IN_CHANNELS = 128
GROUP = 32
CPG = IN_CHANNELS // GROUP  # channels_per_group = 4
EPS = 1e-05
BATCH_SIZE = 16


def _adjust_for_group(t):
    # reshape(-1, group, cpg).sum(-1, keepdim).repeat(1,1,cpg).reshape(-1, C)
    t = t.reshape(-1, GROUP, CPG).sum(-1, keepdims=True)
    t = jnp.broadcast_to(t, (t.shape[0], GROUP, CPG))
    return t.reshape(-1, IN_CHANNELS)


def setup_inputs(seed: int = 0) -> dict:
    key = jax.random.key(seed)
    k1, k2 = jax.random.split(key)
    N = 100000
    batch_size = 16
    data = jax.random.normal(k1, (N, IN_CHANNELS), dtype=jnp.float32)
    batch_id = jnp.sort(jax.random.randint(k2, (N,), 0, batch_size))
    # learned parameters per reset_parameters(): weights=ones, bias=zeros
    weights = jnp.ones((1, IN_CHANNELS), dtype=jnp.float32)
    bias = jnp.zeros((1, IN_CHANNELS), dtype=jnp.float32)
    return {"data": data, "batch_id": batch_id, "batch_size": batch_size,
            "weights": weights, "bias": bias}


def reference(data, batch_id, batch_size, weights, bias):
    N = data.shape[0]
    ones = jnp.ones((N, 1), dtype=data.dtype)
    seg_valid = (jnp.arange(BATCH_SIZE) < batch_size)[:, None]
    count = jax.ops.segment_sum(ones, batch_id, num_segments=BATCH_SIZE)
    count = count * CPG
    inv_count = jnp.where(seg_valid, 1.0 / (count + EPS), 0.0)
    mean = jax.ops.segment_sum(data, batch_id, num_segments=BATCH_SIZE) * inv_count
    mean = _adjust_for_group(mean)
    out = data - jnp.take(mean, batch_id, axis=0)
    var = jax.ops.segment_sum(out ** 2, batch_id, num_segments=BATCH_SIZE) * inv_count
    var = _adjust_for_group(var)
    inv_std = 1.0 / jnp.sqrt(var + EPS)
    out = out * jnp.take(inv_std, batch_id, axis=0)
    out = out * weights + bias
    return out

if __name__ == "__main__":
    import jax
    _d = setup_inputs()
    print(jax.jit(kernel)(*tuple(_d.values())))

</pallas_src>

<mosaic_0001>
#map = affine_map<(d0, d1) -> (0, 0)>
#map1 = affine_map<(d0, d1) -> (0)>
#map2 = affine_map<(d0, d1) -> (0, 0, 0)>
module attributes {stable_mosaic.version = 14 : i64} {
  func.func @_sc_stats_body(%arg0: i32, %arg1: i32, %arg2: memref<100000x128xf32, #tpu.memory_space<hbm>>, %arg3: memref<100000xi32, #tpu.memory_space<hbm>>, %arg4: memref<2x16x128xf32, #tpu.memory_space<hbm>>, %arg5: memref<2x16x128xf32, #tpu.memory_space<hbm>>, %arg6: memref<80x128xf32, #tpu.memory_space<vmem>>, %arg7: memref<80x128xf32, #tpu.memory_space<vmem>>, %arg8: memref<80xi32, #tpu.memory_space<vmem>>, %arg9: memref<16x128xf32, #tpu.memory_space<vmem>>, %arg10: memref<16x128xf32, #tpu.memory_space<vmem_shared>>, %arg11: memref<16x128xf32, #tpu.memory_space<vmem_shared>>) attributes {dimension_semantics = [#tpu.dimension_semantics<core_parallel>, #tpu.dimension_semantics<subcore_parallel>], iteration_bounds = array<i64: 2, 16>, scalar_prefetch = 0 : i64, scratch_operands = 6 : i64, tpu.core_type = #tpu.core_type<sc_vector_subcore>, window_params = [{transform_indices = #map}, {transform_indices = #map1}, {transform_indices = #map2}, {transform_indices = #map2}]} {
    %mul3A = arith.constant 2 : i32
    %mul3A_0 = arith.muli %arg1, %mul3A : i32
    %add3A = arith.addi %mul3A_0, %arg0 : i32
    %eq3A = arith.constant 0 : i32
    %eq3A_1 = arith.cmpi eq, %arg1, %eq3A : i32
    %convert_element_type3A = arith.extui %eq3A_1 : i1 to i32
    %cond3A = arith.constant 0 : i32
    %cond3A_2 = arith.cmpi ne, %convert_element_type3A, %cond3A : i32
    scf.if %cond3A_2 {
      %broadcast_in_dim3A = arith.constant 0.000000e+00 : f32
      %broadcast_in_dim3A_14 = vector.broadcast %broadcast_in_dim3A : f32 to vector<16xf32>
      %swap3A = arith.constant 0 : i32
      %swap3A_15 = arith.index_cast %swap3A : i32 to index
      %swap3A_16 = arith.constant 0 : index
      %swap3A_17 = tpu.vector_load %arg9[%swap3A_15, %swap3A_16] {strides = array<i32>} : memref<16x128xf32, #tpu.memory_space<vmem>>, vector<1x16xf32>,
      %swap3A_18 = vector.shape_cast %swap3A_17 : vector<1x16xf32> to vector<16xf32>
      %swap3A_19 = vector.shape_cast %broadcast_in_dim3A_14 : vector<16xf32> to vector<1x16xf32>
      tpu.vector_store %arg9[%swap3A_15, %swap3A_16], %swap3A_19 {strides = array<i32>} : memref<16x128xf32, #tpu.memory_space<vmem>>, vector<1x16xf32>,
      %swap3A_20 = arith.constant 0 : i32
      %swap3A_21 = arith.index_cast %swap3A_20 : i32 to index
      %swap3A_22 = arith.constant 16 : index
      %swap3A_23 = tpu.vector_load %arg9[%swap3A_21, %swap3A_22] {strides = array<i32>} : memref<16x128xf32, #tpu.memory_space<vmem>>, vector<1x16xf32>,
      %swap3A_24 = vector.shape_cast %swap3A_23 : vector<1x16xf32> to vector<16xf32>
      %swap3A_25 = vector.shape_cast %broadcast_in_dim3A_14 : vector<16xf32> to vector<1x16xf32>
      tpu.vector_store %arg9[%swap3A_21, %swap3A_22], %swap3A_25 {strides = array<i32>} : memref<16x128xf32, #tpu.memory_space<vmem>>, vector<1x16xf32>,
      %swap3A_26 = arith.constant 0 : i32
      %swap3A_27 = arith.index_cast %swap3A_26 : i32 to index
      %swap3A_28 = arith.constant 32 : index
      %swap3A_29 = tpu.vector_load %arg9[%swap3A_27, %swap3A_28] {strides = array<i32>} : memref<16x128xf32, #tpu.memory_space<vmem>>, vector<1x16xf32>,
      %swap3A_30 = vector.shape_cast %swap3A_29 : vector<1x16xf32> to vector<16xf32>
      %swap3A_31 = vector.shape_cast %broadcast_in_dim3A_14 : vector<16xf32> to vector<1x16xf32>
      tpu.vector_store %arg9[%swap3A_27, %swap3A_28], %swap3A_31 {strides = array<i32>} : memref<16x128xf32, #tpu.memory_space<vmem>>, vector<1x16xf32>,
      %swap3A_32 = arith.constant 0 : i32
      %swap3A_33 = arith.index_cast %swap3A_32 : i32 to index
      %swap3A_34 = arith.constant 48 : index
      %swap3A_35 = tpu.vector_load %arg9[%swap3A_33, %swap3A_34] {strides = array<i32>} : memref<16x128xf32, #tpu.memory_space<vmem>>, vector<1x16xf32>,
      %swap3A_36 = vector.shape_cast %swap3A_35 : vector<1x16xf32> to vector<16xf32>
      %swap3A_37 = vector.shape_cast %broadcast_in_dim3A_14 : vector<16xf32> to vector<1x16xf32>
      tpu.vector_store %arg9[%swap3A_33, %swap3A_34], %swap3A_37 {strides = array<i32>} : memref<16x128xf32, #tpu.memory_space<vmem>>, vector<1x16xf32>,
      %swap3A_38 = arith.constant 0 : i32
      %swap3A_39 = arith.index_cast %swap3A_38 : i32 to index
      %swap3A_40 = arith.constant 64 : index
      %swap3A_41 = tpu.vector_load %arg9[%swap3A_39, %swap3A_40] {strides = array<i32>} : memref<16x128xf32, #tpu.memory_space<vmem>>, vector<1x16xf32>,
      %swap3A_42 = vector.shape_cast %swap3A_41 : vector<1x16xf32> to vector<16xf32>
      %swap3A_43 = vector.shape_cast %broadcast_in_dim3A_14 : vector<16xf32> to vector<1x16xf32>
      tpu.vector_store %arg9[%swap3A_39, %swap3A_40], %swap3A_43 {strides = array<i32>} : memref<16x128xf32, #tpu.memory_space<vmem>>, vector<1x16xf32>,
      %swap3A_44 = arith.constant 0 : i32
      %swap3A_45 = arith.index_cast %swap3A_44 : i32 to index
      %swap3A_46 = arith.constant 80 : index
      %swap3A_47 = tpu.vector_load %arg9[%swap3A_45, %swap3A_46] {strides = array<i32>} : memref<16x128xf32, #tpu.memory_space<vmem>>, vector<1x16xf32>,
      %swap3A_48 = vector.shape_cast %swap3A_47 : vector<1x16xf32> to vector<16xf32>
      %swap3A_49 = vector.shape_cast %broadcast_in_dim3A_14 : vector<16xf32> to vector<1x16xf32>
      tpu.vector_store %arg9[%swap3A_45, %swap3A_46], %swap3A_49 {strides = array<i32>} : memref<16x128xf32, #tpu.memory_space<vmem>>, vector<1x16xf32>,
      %swap3A_50 = arith.constant 0 : i32
      %swap3A_51 = arith.index_cast %swap3A_50 : i32 to index
      %swap3A_52 = arith.constant 96 : index
      %swap3A_53 = tpu.vector_load %arg9[%swap3A_51, %swap3A_52] {strides = array<i32>} : memref<16x128xf32, #tpu.memory_space<vmem>>, vector<1x16xf32>,
      %swap3A_54 = vector.shape_cast %swap3A_53 : vector<1x16xf32> to vector<16xf32>
      %swap3A_55 = vector.shape_cast %broadcast_in_dim3A_14 : vector<16xf32> to vector<1x16xf32>
      tpu.vector_store %arg9[%swap3A_51, %swap3A_52], %swap3A_55 {strides = array<i32>} : memref<16x128xf32, #tpu.memory_space<vmem>>, vector<1x16xf32>,
      %swap3A_56 = arith.constant 0 : i32
      %swap3A_57 = arith.index_cast %swap3A_56 : i32 to index
      %swap3A_58 = arith.constant 112 : index
      %swap3A_59 = tpu.vector_load %arg9[%swap3A_57, %swap3A_58] {strides = array<i32>} : memref<16x128xf32, #tpu.memory_space<vmem>>, vector<1x16xf32>,
      %swap3A_60 = vector.shape_cast %swap3A_59 : vector<1x16xf32> to vector<16xf32>
      %swap3A_61 = vector.shape_cast %broadcast_in_dim3A_14 : vector<16xf32> to vector<1x16xf32>
      tpu.vector_store %arg9[%swap3A_57, %swap3A_58], %swap3A_61 {strides = array<i32>} : memref<16x128xf32, #tpu.memory_space<vmem>>, vector<1x16xf32>,
      %swap3A_62 = arith.constant 1 : i32
      %swap3A_63 = arith.index_cast %swap3A_62 : i32 to index
      %swap3A_64 = arith.constant 0 : index
      %swap3A_65 = tpu.vector_load %arg9[%swap3A_63, %swap3A_64] {strides = array<i32>} : memref<16x128xf32, #tpu.memory_space<vmem>>, vector<1x16xf32>,
      %swap3A_66 = vector.shape_cast %swap3A_65 : vector<1x16xf32> to vector<16xf32>
      %swap3A_67 = vector.shape_cast %broadcast_in_dim3A_14 : vector<16xf32> to vector<1x16xf32>
      tpu.vector_store %arg9[%swap3A_63, %swap3A_64], %swap3A_67 {strides = array<i32>} : memref<16x128xf32, #tpu.memory_space<vmem>>, vector<1x16xf32>,
      %swap3A_68 = arith.constant 1 : i32
      %swap3A_69 = arith.index_cast %swap3A_68 : i32 to index
      %swap3A_70 = arith.constant 16 : index
      %swap3A_71 = tpu.vector_load %arg9[%swap3A_69, %swap3A_70] {strides = array<i32>} : memref<16x128xf32, #tpu.memory_space<vmem>>, vector<1x16xf32>,
      %swap3A_72 = vector.shape_cast %swap3A_71 : vector<1x16xf32> to vector<16xf32>
      %swap3A_73 = vector.shape_cast %broadcast_in_dim3A_14 : vector<16xf32> to vector<1x16xf32>
      tpu.vector_store %arg9[%swap3A_69, %swap3A_70], %swap3A_73 {strides = array<i32>} : memref<16x128xf32, #tpu.memory_space<vmem>>, vector<1x16xf32>,
      %swap3A_74 = arith.constant 1 : i32
      %swap3A_75 = arith.index_cast %swap3A_74 : i32 to index
      %swap3A_76 = arith.constant 32 : index
      %swap3A_77 = tpu.vector_load %arg9[%swap3A_75, %swap3A_76] {strides = array<i32>} : memref<16x128xf32, #tpu.memory_space<vmem>>, vector<1x16xf32>,
      %swap3A_78 = vector.shape_cast %swap3A_77 : vector<1x16xf32> to vector<16xf32>
      %swap3A_79 = vector.shape_cast %broadcast_in_dim3A_14 : vector<16xf32> to vector<1x16xf32>
      tpu.vector_store %arg9[%swap3A_75, %swap3A_76], %swap3A_79 {strides = array<i32>} : memref<16x128xf32, #tpu.memory_space<vmem>>, vector<1x16xf32>,
      %swap3A_80 = arith.constant 1 : i32
      %swap3A_81 = arith.index_cast %swap3A_80 : i32 to index
      %swap3A_82 = arith.constant 48 : index
      %swap3A_83 = tpu.vector_load %arg9[%swap3A_81, %swap3A_82] {strides = array<i32>} : memref<16x128xf32, #tpu.memory_space<vmem>>, vector<1x16xf32>,
      %swap3A_84 = vector.shape_cast %swap3A_83 : vector<1x16xf32> to vector<16xf32>
      %swap3A_85 = vector.shape_cast %broadcast_in_dim3A_14 : vector<16xf32> to vector<1x16xf32>
      tpu.vector_store %arg9[%swap3A_81, %swap3A_82], %swap3A_85 {strides = array<i32>} : memref<16x128xf32, #tpu.memory_space<vmem>>, vector<1x16xf32>,
      %swap3A_86 = arith.constant 1 : i32
      %swap3A_87 = arith.index_cast %swap3A_86 : i32 to index
      %swap3A_88 = arith.constant 64 : index
      %swap3A_89 = tpu.vector_load %arg9[%swap3A_87, %swap3A_88] {strides = array<i32>} : memref<16x128xf32, #tpu.memory_space<vmem>>, vector<1x16xf32>,
      %swap3A_90 = vector.shape_cast %swap3A_89 : vector<1x16xf32> to vector<16xf32>
      %swap3A_91 = vector.shape_cast %broadcast_in_dim3A_14 : vector<16xf32> to vector<1x16xf32>
      tpu.vector_store %arg9[%swap3A_87, %swap3A_88], %swap3A_91 {strides = array<i32>} : memref<16x128xf32, #tpu.memory_space<vmem>>, vector<1x16xf32>,
      %swap3A_92 = arith.constant 1 : i32
      %swap3A_93 = arith.index_cast %swap3A_92 : i32 to index
      %swap3A_94 = arith.constant 80 : index
      %swap3A_95 = tpu.vector_load %arg9[%swap3A_93, %swap3A_94] {strides = array<i32>} : memref<16x128xf32, #tpu.memory_space<vmem>>, vector<1x16xf32>,
      %swap3A_96 = vector.shape_cast %swap3A_95 : vector<1x16xf32> to vector<16xf32>
      %swap3A_97 = vector.shape_cast %broadcast_in_dim3A_14 : vector<16xf32> to vector<1x16xf32>
      tpu.vector_store %arg9[%swap3A_93, %swap3A_94], %swap3A_97 {strides = array<i32>} : memref<16x128xf32, #tpu.memory_space<vmem>>, vector<1x16xf32>,
      %swap3A_98 = arith.constant 1 : i32
      %swap3A_99 = arith.index_cast %swap3A_98 : i32 to index
      %swap3A_100 = arith.constant 96 : index
      %swap3A_101 = tpu.vector_load %arg9[%swap3A_99, %swap3A_100] {strides = array<i32>} : memref<16x128xf32, #tpu.memory_space<vmem>>, vector<1x16xf32>,
      %swap3A_102 = vector.shape_cast %swap3A_101 : vector<1x16xf32> to vector<16xf32>
      %swap3A_103 = vector.shape_cast %broadcast_in_dim3A_14 : vector<16xf32> to vector<1x16xf32>
      tpu.vector_store %arg9[%swap3A_99, %swap3A_100], %swap3A_103 {strides = array<i32>} : memref<16x128xf32, #tpu.memory_space<vmem>>, vector<1x16xf32>,
      %swap3A_104 = arith.constant 1 : i32
      %swap3A_105 = arith.index_cast %swap3A_104 : i32 to index
      %swap3A_106 = arith.constant 112 : index
      %swap3A_107 = tpu.vector_load %arg9[%swap3A_105, %swap3A_106] {strides = array<i32>} : memref<16x128xf32, #tpu.memory_space<vmem>>, vector<1x16xf32>,
      %swap3A_108 = vector.shape_cast %swap3A_107 : vector<1x16xf32> to vector<16xf32>
      %swap3A_109 = vector.shape_cast %broadcast_in_dim3A_14 : vector<16xf32> to vector<1x16xf32>
      tpu.vector_store %arg9[%swap3A_105, %swap3A_106], %swap3A_109 {strides = array<i32>} : memref<16x128xf32, #tpu.memory_space<vmem>>, vector<1x16xf32>,
      %swap3A_110 = arith.constant 2 : i32
      %swap3A_111 = arith.index_cast %swap3A_110 : i32 to index
      %swap3A_112 = arith.constant 0 : index
      %swap3A_113 = tpu.vector_load %arg9[%swap3A_111, %swap3A_112] {strides = array<i32>} : memref<16x128xf32, #tpu.memory_space<vmem>>, vector<1x16xf32>,
      %swap3A_114 = vector.shape_cast %swap3A_113 : vector<1x16xf32> to vector<16xf32>
      %swap3A_115 = vector.shape_cast %broadcast_in_dim3A_14 : vector<16xf32> to vector<1x16xf32>
      tpu.vector_store %arg9[%swap3A_111, %swap3A_112], %swap3A_115 {strides = array<i32>} : memref<16x128xf32, #tpu.memory_space<vmem>>, vector<1x16xf32>,
      %swap3A_116 = arith.constant 2 : i32
      %swap3A_117 = arith.index_cast %swap3A_116 : i32 to index
      %swap3A_118 = arith.constant 16 : index
      %swap3A_119 = tpu.vector_load %arg9[%swap3A_117, %swap3A_118] {strides = array<i32>} : memref<16x128xf32, #tpu.memory_space<vmem>>, vector<1x16xf32>,
      %swap3A_120 = vector.shape_cast %swap3A_119 : vector<1x16xf32> to vector<16xf32>
      %swap3A_121 = vector.shape_cast %broadcast_in_dim3A_14 : vector<16xf32> to vector<1x16xf32>
      tpu.vector_store %arg9[%swap3A_117, %swap3A_118], %swap3A_121 {strides = array<i32>} : memref<16x128xf32, #tpu.memory_space<vmem>>, vector<1x16xf32>,
      %swap3A_122 = arith.constant 2 : i32
      %swap3A_123 = arith.index_cast %swap3A_122 : i32 to index
      %swap3A_124 = arith.constant 32 : index
      %swap3A_125 = tpu.vector_load %arg9[%swap3A_123, %swap3A_124] {strides = array<i32>} : memref<16x128xf32, #tpu.memory_space<vmem>>, vector<1x16xf32>,
      %swap3A_126 = vector.shape_cast %swap3A_125 : vector<1x16xf32> to vector<16xf32>
      %swap3A_127 = vector.shape_cast %broadcast_in_dim3A_14 : vector<16xf32> to vector<1x16xf32>
      tpu.vector_store %arg9[%swap3A_123, %swap3A_124], %swap3A_127 {strides = array<i32>} : memref<16x128xf32, #tpu.memory_space<vmem>>, vector<1x16xf32>,
      %swap3A_128 = arith.constant 2 : i32
      %swap3A_129 = arith.index_cast %swap3A_128 : i32 to index
      %swap3A_130 = arith.constant 48 : index
      %swap3A_131 = tpu.vector_load %arg9[%swap3A_129, %swap3A_130] {strides = array<i32>} : memref<16x128xf32, #tpu.memory_space<vmem>>, vector<1x16xf32>,
      %swap3A_132 = vector.shape_cast %swap3A_131 : vector<1x16xf32> to vector<16xf32>
      %swap3A_133 = vector.shape_cast %broadcast_in_dim3A_14 : vector<16xf32> to vector<1x16xf32>
      tpu.vector_store %arg9[%swap3A_129, %swap3A_130], %swap3A_133 {strides = array<i32>} : memref<16x128xf32, #tpu.memory_space<vmem>>, vector<1x16xf32>,
      %swap3A_134 = arith.constant 2 : i32
      %swap3A_135 = arith.index_cast %swap3A_134 : i32 to index
      %swap3A_136 = arith.constant 64 : index
      %swap3A_137 = tpu.vector_load %arg9[%swap3A_135, %swap3A_136] {strides = array<i32>} : memref<16x128xf32, #tpu.memory_space<vmem>>, vector<1x16xf32>,
      %swap3A_138 = vector.shape_cast %swap3A_137 : vector<1x16xf32> to vector<16xf32>
      %swap3A_139 = vector.shape_cast %broadcast_in_dim3A_14 : vector<16xf32> to vector<1x16xf32>
      tpu.vector_store %arg9[%swap3A_135, %swap3A_136], %swap3A_139 {strides = array<i32>} : memref<16x128xf32, #tpu.memory_space<vmem>>, vector<1x16xf32>,
      %swap3A_140 = arith.constant 2 : i32
      %swap3A_141 = arith.index_cast %swap3A_140 : i32 to index
      %swap3A_142 = arith.constant 80 : index
      %swap3A_143 = tpu.vector_load %arg9[%swap3A_141, %swap3A_142] {strides = array<i32>} : memref<16x128xf32, #tpu.memory_space<vmem>>, vector<1x16xf32>,
      %swap3A_144 = vector.shape_cast %swap3A_143 : vector<1x16xf32> to vector<16xf32>
      %swap3A_145 = vector.shape_cast %broadcast_in_dim3A_14 : vector<16xf32> to vector<1x16xf32>
      tpu.vector_store %arg9[%swap3A_141, %swap3A_142], %swap3A_145 {strides = array<i32>} : memref<16x128xf32, #tpu.memory_space<vmem>>, vector<1x16xf32>,
      %swap3A_146 = arith.constant 2 : i32
      %swap3A_147 = arith.index_cast %swap3A_146 : i32 to index
      %swap3A_148 = arith.constant 96 : index
      %swap3A_149 = tpu.vector_load %arg9[%swap3A_147, %swap3A_148] {strides = array<i32>} : memref<16x128xf32, #tpu.memory_space<vmem>>, vector<1x16xf32>,
      %swap3A_150 = vector.shape_cast %swap3A_149 : vector<1x16xf32> to vector<16xf32>
      %swap3A_151 = vector.shape_cast %broadcast_in_dim3A_14 : vector<16xf32> to vector<1x16xf32>
      tpu.vector_store %arg9[%swap3A_147, %swap3A_148], %swap3A_151 {strides = array<i32>} : memref<16x128xf32, #tpu.memory_space<vmem>>, vector<1x16xf32>,
      %swap3A_152 = arith.constant 2 : i32
      %swap3A_153 = arith.index_cast %swap3A_152 : i32 to index
      %swap3A_154 = arith.constant 112 : index
      %swap3A_155 = tpu.vector_load %arg9[%swap3A_153, %swap3A_154] {strides = array<i32>} : memref<16x128xf32, #tpu.memory_space<vmem>>, vector<1x16xf32>,
      %swap3A_156 = vector.shape_cast %swap3A_155 : vector<1x16xf32> to vector<16xf32>
      %swap3A_157 = vector.shape_cast %broadcast_in_dim3A_14 : vector<16xf32> to vector<1x16xf32>
      tpu.vector_store %arg9[%swap3A_153, %swap3A_154], %swap3A_157 {strides = array<i32>} : memref<16x128xf32, #tpu.memory_space<vmem>>, vector<1x16xf32>,
      %swap3A_158 = arith.constant 3 : i32
      %swap3A_159 = arith.index_cast %swap3A_158 : i32 to index
      %swap3A_160 = arith.constant 0 : index
      %swap3A_161 = tpu.vector_load %arg9[%swap3A_159, %swap3A_160] {strides = array<i32>} : memref<16x128xf32, #tpu.memory_space<vmem>>, vector<1x16xf32>,
      %swap3A_162 = vector.shape_cast %swap3A_161 : vector<1x16xf32> to vector<16xf32>
      %swap3A_163 = vector.shape_cast %broadcast_in_dim3A_14 : vector<16xf32> to vector<1x16xf32>
      tpu.vector_store %arg9[%swap3A_159, %swap3A_160], %swap3A_163 {strides = array<i32>} : memref<16x128xf32, #tpu.memory_space<vmem>>, vector<1x16xf32>,
      %swap3A_164 = arith.constant 3 : i32
      %swap3A_165 = arith.index_cast %swap3A_164 : i32 to index
      %swap3A_166 = arith.constant 16 : index
      %swap3A_167 = tpu.vector_load %arg9[%swap3A_165, %swap3A_166] {strides = array<i32>} : memref<16x128xf32, #tpu.memory_space<vmem>>, vector<1x16xf32>,
      %swap3A_168 = vector.shape_cast %swap3A_167 : vector<1x16xf32> to vector<16xf32>
      %swap3A_169 = vector.shape_cast %broadcast_in_dim3A_14 : vector<16xf32> to vector<1x16xf32>
      tpu.vector_store %arg9[%swap3A_165, %swap3A_166], %swap3A_169 {strides = array<i32>} : memref<16x128xf32, #tpu.memory_space<vmem>>, vector<1x16xf32>,
      %swap3A_170 = arith.constant 3 : i32
      %swap3A_171 = arith.index_cast %swap3A_170 : i32 to index
      %swap3A_172 = arith.constant 32 : index
      %swap3A_173 = tpu.vector_load %arg9[%swap3A_171, %swap3A_172] {strides = array<i32>} : memref<16x128xf32, #tpu.memory_space<vmem>>, vector<1x16xf32>,
      %swap3A_174 = vector.shape_cast %swap3A_173 : vector<1x16xf32> to vector<16xf32>
      %swap3A_175 = vector.shape_cast %broadcast_in_dim3A_14 : vector<16xf32> to vector<1x16xf32>
      tpu.vector_store %arg9[%swap3A_171, %swap3A_172], %swap3A_175 {strides = array<i32>} : memref<16x128xf32, #tpu.memory_space<vmem>>, vector<1x16xf32>,
      %swap3A_176 = arith.constant 3 : i32
      %swap3A_177 = arith.index_cast %swap3A_176 : i32 to index
      %swap3A_178 = arith.constant 48 : index
      %swap3A_179 = tpu.vector_load %arg9[%swap3A_177, %swap3A_178] {strides = array<i32>} : memref<16x128xf32, #tpu.memory_space<vmem>>, vector<1x16xf32>,
      %swap3A_180 = vector.shape_cast %swap3A_179 : vector<1x16xf32> to vector<16xf32>
      %swap3A_181 = vector.shape_cast %broadcast_in_dim3A_14 : vector<16xf32> to vector<1x16xf32>
      tpu.vector_store %arg9[%swap3A_177, %swap3A_178], %swap3A_181 {strides = array<i32>} : memref<16x128xf32, #tpu.memory_space<vmem>>, vector<1x16xf32>,
      %swap3A_182 = arith.constant 3 : i32
      %swap3A_183 = arith.index_cast %swap3A_182 : i32 to index
      %swap3A_184 = arith.constant 64 : index
      %swap3A_185 = tpu.vector_load %arg9[%swap3A_183, %swap3A_184] {strides = array<i32>} : memref<16x128xf32, #tpu.memory_space<vmem>>, vector<1x16xf32>,
      %swap3A_186 = vector.shape_cast %swap3A_185 : vector<1x16xf32> to vector<16xf32>
      %swap3A_187 = vector.shape_cast %broadcast_in_dim3A_14 : vector<16xf32> to vector<1x16xf32>
      tpu.vector_store %arg9[%swap3A_183, %swap3A_184], %swap3A_187 {strides = array<i32>} : memref<16x128xf32, #tpu.memory_space<vmem>>, vector<1x16xf32>,
      %swap3A_188 = arith.constant 3 : i32
      %swap3A_189 = arith.index_cast %swap3A_188 : i32 to index
      %swap3A_190 = arith.constant 80 : index
      %swap3A_191 = tpu.vector_load %arg9[%swap3A_189, %swap3A_190] {strides = array<i32>} : memref<16x128xf32, #tpu.memory_space<vmem>>, vector<1x16xf32>,
      %swap3A_192 = vector.shape_cast %swap3A_191 : vector<1x16xf32> to vector<16xf32>
      %swap3A_193 = vector.shape_cast %broadcast_in_dim3A_14 : vector<16xf32> to vector<1x16xf32>
      tpu.vector_store %arg9[%swap3A_189, %swap3A_190], %swap3A_193 {strides = array<i32>} : memref<16x128xf32, #tpu.memory_space<vmem>>, vector<1x16xf32>,
      %swap3A_194 = arith.constant 3 : i32
      %swap3A_195 = arith.index_cast %swap3A_194 : i32 to index
      %swap3A_196 = arith.constant 96 : index
      %swap3A_197 = tpu.vector_load %arg9[%swap3A_195, %swap3A_196] {strides = array<i32>} : memref<16x128xf32, #tpu.memory_space<vmem>>, vector<1x16xf32>,
      %swap3A_198 = vector.shape_cast %swap3A_197 : vector<1x16xf32> to vector<16xf32>
      %swap3A_199 = vector.shape_cast %broadcast_in_dim3A_14 : vector<16xf32> to vector<1x16xf32>
      tpu.vector_store %arg9[%swap3A_195, %swap3A_196], %swap3A_199 {strides = array<i32>} : memref<16x128xf32, #tpu.memory_space<vmem>>, vector<1x16xf32>,
      %swap3A_200 = arith.constant 3 : i32
      %swap3A_201 = arith.index_cast %swap3A_200 : i32 to index
      %swap3A_202 = arith.constant 112 : index
      %swap3A_203 = tpu.vector_load %arg9[%swap3A_201, %swap3A_202] {strides = array<i32>} : memref<16x128xf32, #tpu.memory_space<vmem>>, vector<1x16xf32>,
      %swap3A_204 = vector.shape_cast %swap3A_203 : vector<1x16xf32> to vector<16xf32>
      %swap3A_205 = vector.shape_cast %broadcast_in_dim3A_14 : vector<16xf32> to vector<1x16xf32>
      tpu.vector_store %arg9[%swap3A_201, %swap3A_202], %swap3A_205 {strides = array<i32>} : memref<16x128xf32, #tpu.memory_space<vmem>>, vector<1x16xf32>,
      %swap3A_206 = arith.constant 4 : i32
      %swap3A_207 = arith.index_cast %swap3A_206 : i32 to index
      %swap3A_208 = arith.constant 0 : index
      %swap3A_209 = tpu.vector_load %arg9[%swap3A_207, %swap3A_208] {strides = array<i32>} : memref<16x128xf32, #tpu.memory_space<vmem>>, vector<1x16xf32>,
      %swap3A_210 = vector.shape_cast %swap3A_209 : vector<1x16xf32> to vector<16xf32>
      %swap3A_211 = vector.shape_cast %broadcast_in_dim3A_14 : vector<16xf32> to vector<1x16xf32>
      tpu.vector_store %arg9[%swap3A_207, %swap3A_208], %swap3A_211 {strides = array<i32>} : memref<16x128xf32, #tpu.memory_space<vmem>>, vector<1x16xf32>,
      %swap3A_212 = arith.constant 4 : i32
      %swap3A_213 = arith.index_cast %swap3A_212 : i32 to index
      %swap3A_214 = arith.constant 16 : index
      %swap3A_215 = tpu.vector_load %arg9[%swap3A_213, %swap3A_214] {strides = array<i32>} : memref<16x128xf32, #tpu.memory_space<vmem>>, vector<1x16xf32>,
      %swap3A_216 = vector.shape_cast %swap3A_215 : vector<1x16xf32> to vector<16xf32>
      %swap3A_217 = vector.shape_cast %broadcast_in_dim3A_14 : vector<16xf32> to vector<1x16xf32>
      tpu.vector_store %arg9[%swap3A_213, %swap3A_214], %swap3A_217 {strides = array<i32>} : memref<16x128xf32, #tpu.memory_space<vmem>>, vector<1x16xf32>,
      %swap3A_218 = arith.constant 4 : i32
      %swap3A_219 = arith.index_cast %swap3A_218 : i32 to index
      %swap3A_220 = arith.constant 32 : index
      %swap3A_221 = tpu.vector_load %arg9[%swap3A_219, %swap3A_220] {strides = array<i32>} : memref<16x128xf32, #tpu.memory_space<vmem>>, vector<1x16xf32>,
      %swap3A_222 = vector.shape_cast %swap3A_221 : vector<1x16xf32> to vector<16xf32>
      %swap3A_223 = vector.shape_cast %broadcast_in_dim3A_14 : vector<16xf32> to vector<1x16xf32>
      tpu.vector_store %arg9[%swap3A_219, %swap3A_220], %swap3A_223 {strides = array<i32>} : memref<16x128xf32, #tpu.memory_space<vmem>>, vector<1x16xf32>,
      %swap3A_224 = arith.constant 4 : i32
      %swap3A_225 = arith.index_cast %swap3A_224 : i32 to index
      %swap3A_226 = arith.constant 48 : index
      %swap3A_227 = tpu.vector_load %arg9[%swap3A_225, %swap3A_226] {strides = array<i32>} : memref<16x128xf32, #tpu.memory_space<vmem>>, vector<1x16xf32>,
      %swap3A_228 = vector.shape_cast %swap3A_227 : vector<1x16xf32> to vector<16xf32>
      %swap3A_229 = vector.shape_cast %broadcast_in_dim3A_14 : vector<16xf32> to vector<1x16xf32>
      tpu.vector_store %arg9[%swap3A_225, %swap3A_226], %swap3A_229 {strides = array<i32>} : memref<16x128xf32, #tpu.memory_space<vmem>>, vector<1x16xf32>,
      %swap3A_230 = arith.constant 4 : i32
      %swap3A_231 = arith.index_cast %swap3A_230 : i32 to index
      %swap3A_232 = arith.constant 64 : index
      %swap3A_233 = tpu.vector_load %arg9[%swap3A_231, %swap3A_232] {strides = array<i32>} : memref<16x128xf32, #tpu.memory_space<vmem>>, vector<1x16xf32>,
      %swap3A_234 = vector.shape_cast %swap3A_233 : vector<1x16xf32> to vector<16xf32>
      %swap3A_235 = vector.shape_cast %broadcast_in_dim3A_14 : vector<16xf32> to vector<1x16xf32>
      tpu.vector_store %arg9[%swap3A_231, %swap3A_232], %swap3A_235 {strides = array<i32>} : memref<16x128xf32, #tpu.memory_space<vmem>>, vector<1x16xf32>,
      %swap3A_236 = arith.constant 4 : i32
      %swap3A_237 = arith.index_cast %swap3A_236 : i32 to index
      %swap3A_238 = arith.constant 80 : index
      %swap3A_239 = tpu.vector_load %arg9[%swap3A_237, %swap3A_238] {strides = array<i32>} : memref<16x128xf32, #tpu.memory_space<vmem>>, vector<1x16xf32>,
      %swap3A_240 = vector.shape_cast %swap3A_239 : vector<1x16xf32> to vector<16xf32>
      %swap3A_241 = vector.shape_cast %broadcast_in_dim3A_14 : vector<16xf32> to vector<1x16xf32>
      tpu.vector_store %arg9[%swap3A_237, %swap3A_238], %swap3A_241 {strides = array<i32>} : memref<16x128xf32, #tpu.memory_space<vmem>>, vector<1x16xf32>,
      %swap3A_242 = arith.constant 4 : i32
      %swap3A_243 = arith.index_cast %swap3A_242 : i32 to index
      %swap3A_244 = arith.constant 96 : index
      %swap3A_245 = tpu.vector_load %arg9[%swap3A_243, %swap3A_244] {strides = array<i32>} : memref<16x128xf32, #tpu.memory_space<vmem>>, vector<1x16xf32>,
      %swap3A_246 = vector.shape_cast %swap3A_245 : vector<1x16xf32> to vector<16xf32>
      %swap3A_247 = vector.shape_cast %broadcast_in_dim3A_14 : vector<16xf32> to vector<1x16xf32>
      tpu.vector_store %arg9[%swap3A_243, %swap3A_244], %swap3A_247 {strides = array<i32>} : memref<16x128xf32, #tpu.memory_space<vmem>>, vector<1x16xf32>,
      %swap3A_248 = arith.constant 4 : i32
      %swap3A_249 = arith.index_cast %swap3A_248 : i32 to index
      %swap3A_250 = arith.constant 112 : index
      %swap3A_251 = tpu.vector_load %arg9[%swap3A_249, %swap3A_250] {strides = array<i32>} : memref<16x128xf32, #tpu.memory_space<vmem>>, vector<1x16xf32>,
      %swap3A_252 = vector.shape_cast %swap3A_251 : vector<1x16xf32> to vector<16xf32>
      %swap3A_253 = vector.shape_cast %broadcast_in_dim3A_14 : vector<16xf32> to vector<1x16xf32>
      tpu.vector_store %arg9[%swap3A_249, %swap3A_250], %swap3A_253 {strides = array<i32>} : memref<16x128xf32, #tpu.memory_space<vmem>>, vector<1x16xf32>,
      %swap3A_254 = arith.constant 5 : i32
      %swap3A_255 = arith.index_cast %swap3A_254 : i32 to index
      %swap3A_256 = arith.constant 0 : index
      %swap3A_257 = tpu.vector_load %arg9[%swap3A_255, %swap3A_256] {strides = array<i32>} : memref<16x128xf32, #tpu.memory_space<vmem>>, vector<1x16xf32>,
      %swap3A_258 = vector.shape_cast %swap3A_257 : vector<1x16xf32> to vector<16xf32>
      %swap3A_259 = vector.shape_cast %broadcast_in_dim3A_14 : vector<16xf32> to vector<1x16xf32>
      tpu.vector_store %arg9[%swap3A_255, %swap3A_256], %swap3A_259 {strides = array<i32>} : memref<16x128xf32, #tpu.memory_space<vmem>>, vector<1x16xf32>,
      %swap3A_260 = arith.constant 5 : i32
      %swap3A_261 = arith.index_cast %swap3A_260 : i32 to index
      %swap3A_262 = arith.constant 16 : index
      %swap3A_263 = tpu.vector_load %arg9[%swap3A_261, %swap3A_262] {strides = array<i32>} : memref<16x128xf32, #tpu.memory_space<vmem>>, vector<1x16xf32>,
      %swap3A_264 = vector.shape_cast %swap3A_263 : vector<1x16xf32> to vector<16xf32>
      %swap3A_265 = vector.shape_cast %broadcast_in_dim3A_14 : vector<16xf32> to vector<1x16xf32>
      tpu.vector_store %arg9[%swap3A_261, %swap3A_262], %swap3A_265 {strides = array<i32>} : memref<16x128xf32, #tpu.memory_space<vmem>>, vector<1x16xf32>,
      %swap3A_266 = arith.constant 5 : i32
      %swap3A_267 = arith.index_cast %swap3A_266 : i32 to index
      %swap3A_268 = arith.constant 32 : index
      %swap3A_269 = tpu.vector_load %arg9[%swap3A_267, %swap3A_268] {strides = array<i32>} : memref<16x128xf32, #tpu.memory_space<vmem>>, vector<1x16xf32>,
      %swap3A_270 = vector.shape_cast %swap3A_269 : vector<1x16xf32> to vector<16xf32>
      %swap3A_271 = vector.shape_cast %broadcast_in_dim3A_14 : vector<16xf32> to vector<1x16xf32>
      tpu.vector_store %arg9[%swap3A_267, %swap3A_268], %swap3A_271 {strides = array<i32>} : memref<16x128xf32, #tpu.memory_space<vmem>>, vector<1x16xf32>,
      %swap3A_272 = arith.constant 5 : i32
      %swap3A_273 = arith.index_cast %swap3A_272 : i32 to index
      %swap3A_274 = arith.constant 48 : index
      %swap3A_275 = tpu.vector_load %arg9[%swap3A_273, %swap3A_274] {strides = array<i32>} : memref<16x128xf32, #tpu.memory_space<vmem>>, vector<1x16xf32>,
      %swap3A_276 = vector.shape_cast %swap3A_275 : vector<1x16xf32> to vector<16xf32>
      %swap3A_277 = vector.shape_cast %broadcast_in_dim3A_14 : vector<16xf32> to vector<1x16xf32>
      tpu.vector_store %arg9[%swap3A_273, %swap3A_274], %swap3A_277 {strides = array<i32>} : memref<16x128xf32, #tpu.memory_space<vmem>>, vector<1x16xf32>,
      %swap3A_278 = arith.constant 5 : i32
      %swap3A_279 = arith.index_cast %swap3A_278 : i32 to index
      %swap3A_280 = arith.constant 64 : index
      %swap3A_281 = tpu.vector_load %arg9[%swap3A_279, %swap3A_280] {strides = array<i32>} : memref<16x128xf32, #tpu.memory_space<vmem>>, vector<1x16xf32>,
      %swap3A_282 = vector.shape_cast %swap3A_281 : vector<1x16xf32> to vector<16xf32>
      %swap3A_283 = vector.shape_cast %broadcast_in_dim3A_14 : vector<16xf32> to vector<1x16xf32>
      tpu.vector_store %arg9[%swap3A_279, %swap3A_280], %swap3A_283 {strides = array<i32>} : memref<16x128xf32, #tpu.memory_space<vmem>>, vector<1x16xf32>,
      %swap3A_284 = arith.constant 5 : i32
      %swap3A_285 = arith.index_cast %swap3A_284 : i32 to index
      %swap3A_286 = arith.constant 80 : index
      %swap3A_287 = tpu.vector_load %arg9[%swap3A_285, %swap3A_286] {strides = array<i32>} : memref<16x128xf32, #tpu.memory_space<vmem>>, vector<1x16xf32>,
      %swap3A_288 = vector.shape_cast %swap3A_287 : vector<1x16xf32> to vector<16xf32>
      %swap3A_289 = vector.shape_cast %broadcast_in_dim3A_14 : vector<16xf32> to vector<1x16xf32>
      tpu.vector_store %arg9[%swap3A_285, %swap3A_286], %swap3A_289 {strides = array<i32>} : memref<16x128xf32, #tpu.memory_space<vmem>>, vector<1x16xf32>,
      %swap3A_290 = arith.constant 5 : i32
      %swap3A_291 = arith.index_cast %swap3A_290 : i32 to index
      %swap3A_292 = arith.constant 96 : index
      %swap3A_293 = tpu.vector_load %arg9[%swap3A_291, %swap3A_292] {strides = array<i32>} : memref<16x128xf32, #tpu.memory_space<vmem>>, vector<1x16xf32>,
      %swap3A_294 = vector.shape_cast %swap3A_293 : vector<1x16xf32> to vector<16xf32>
      %swap3A_295 = vector.shape_cast %broadcast_in_dim3A_14 : vector<16xf32> to vector<1x16xf32>
      tpu.vector_store %arg9[%swap3A_291, %swap3A_292], %swap3A_295 {strides = array<i32>} : memref<16x128xf32, #tpu.memory_space<vmem>>, vector<1x16xf32>,
      %swap3A_296 = arith.constant 5 : i32
      %swap3A_297 = arith.index_cast %swap3A_296 : i32 to index
      %swap3A_298 = arith.constant 112 : index
      %swap3A_299 = tpu.vector_load %arg9[%swap3A_297, %swap3A_298] {strides = array<i32>} : memref<16x128xf32, #tpu.memory_space<vmem>>, vector<1x16xf32>,
      %swap3A_300 = vector.shape_cast %swap3A_299 : vector<1x16xf32> to vector<16xf32>
      %swap3A_301 = vector.shape_cast %broadcast_in_dim3A_14 : vector<16xf32> to vector<1x16xf32>
      tpu.vector_store %arg9[%swap3A_297, %swap3A_298], %swap3A_301 {strides = array<i32>} : memref<16x128xf32, #tpu.memory_space<vmem>>, vector<1x16xf32>,
      %swap3A_302 = arith.constant 6 : i32
      %swap3A_303 = arith.index_cast %swap3A_302 : i32 to index
      %swap3A_304 = arith.constant 0 : index
      %swap3A_305 = tpu.vector_load %arg9[%swap3A_303, %swap3A_304] {strides = array<i32>} : memref<16x128xf32, #tpu.memory_space<vmem>>, vector<1x16xf32>,
      %swap3A_306 = vector.shape_cast %swap3A_305 : vector<1x16xf32> to vector<16xf32>
      %swap3A_307 = vector.shape_cast %broadcast_in_dim3A_14 : vector<16xf32> to vector<1x16xf32>
      tpu.vector_store %arg9[%swap3A_303, %swap3A_304], %swap3A_307 {strides = array<i32>} : memref<16x128xf32, #tpu.memory_space<vmem>>, vector<1x16xf32>,
      %swap3A_308 = arith.constant 6 : i32
      %swap3A_309 = arith.index_cast %swap3A_308 : i32 to index
      %swap3A_310 = arith.constant 16 : index
      %swap3A_311 = tpu.vector_load %arg9[%swap3A_309, %swap3A_310] {strides = array<i32>} : memref<16x128xf32, #tpu.memory_space<vmem>>, vector<1x16xf32>,
      %swap3A_312 = vector.shape_cast %swap3A_311 : vector<1x16xf32> to vector<16xf32>
      %swap3A_313 = vector.shape_cast %broadcast_in_dim3A_14 : vector<16xf32> to vector<1x16xf32>
      tpu.vector_store %arg9[%swap3A_309, %swap3A_310], %swap3A_313 {strides = array<i32>} : memref<16x128xf32, #tpu.memory_space<vmem>>, vector<1x16xf32>,
      %swap3A_314 = arith.constant 6 : i32
      %swap3A_315 = arith.index_cast %swap3A_314 : i32 to index
      %swap3A_316 = arith.constant 32 : index
      %swap3A_317 = tpu.vector_load %arg9[%swap3A_315, %swap3A_316] {strides = array<i32>} : memref<16x128xf32, #tpu.memory_space<vmem>>, vector<1x16xf32>,
      %swap3A_318 = vector.shape_cast %swap3A_317 : vector<1x16xf32> to vector<16xf32>
      %swap3A_319 = vector.shape_cast %broadcast_in_dim3A_14 : vector<16xf32> to vector<1x16xf32>
      tpu.vector_store %arg9[%swap3A_315, %swap3A_316], %swap3A_319 {strides = array<i32>} : memref<16x128xf32, #tpu.memory_space<vmem>>, vector<1x16xf32>,
      %swap3A_320 = arith.constant 6 : i32
      %swap3A_321 = arith.index_cast %swap3A_320 : i32 to index
      %swap3A_322 = arith.constant 48 : index
      %swap3A_323 = tpu.vector_load %arg9[%swap3A_321, %swap3A_322] {strides = array<i32>} : memref<16x128xf32, #tpu.memory_space<vmem>>, vector<1x16xf32>,
      %swap3A_324 = vector.shape_cast %swap3A_323 : vector<1x16xf32> to vector<16xf32>
      %swap3A_325 = vector.shape_cast %broadcast_in_dim3A_14 : vector<16xf32> to vector<1x16xf32>
      tpu.vector_store %arg9[%swap3A_321, %swap3A_322], %swap3A_325 {strides = array<i32>} : memref<16x128xf32, #tpu.memory_space<vmem>>, vector<1x16xf32>,
      %swap3A_326 = arith.constant 6 : i32
      %swap3A_327 = arith.index_cast %swap3A_326 : i32 to index
      %swap3A_328 = arith.constant 64 : index
      %swap3A_329 = tpu.vector_load %arg9[%swap3A_327, %swap3A_328] {strides = array<i32>} : memref<16x128xf32, #tpu.memory_space<vmem>>, vector<1x16xf32>,
      %swap3A_330 = vector.shape_cast %swap3A_329 : vector<1x16xf32> to vector<16xf32>
      %swap3A_331 = vector.shape_cast %broadcast_in_dim3A_14 : vector<16xf32> to vector<1x16xf32>
      tpu.vector_store %arg9[%swap3A_327, %swap3A_328], %swap3A_331 {strides = array<i32>} : memref<16x128xf32, #tpu.memory_space<vmem>>, vector<1x16xf32>,
      %swap3A_332 = arith.constant 6 : i32
      %swap3A_333 = arith.index_cast %swap3A_332 : i32 to index
      %swap3A_334 = arith.constant 80 : index
      %swap3A_335 = tpu.vector_load %arg9[%swap3A_333, %swap3A_334] {strides = array<i32>} : memref<16x128xf32, #tpu.memory_space<vmem>>, vector<1x16xf32>,
      %swap3A_336 = vector.shape_cast %swap3A_335 : vector<1x16xf32> to vector<16xf32>
      %swap3A_337 = vector.shape_cast %broadcast_in_dim3A_14 : vector<16xf32> to vector<1x16xf32>
      tpu.vector_store %arg9[%swap3A_333, %swap3A_334], %swap3A_337 {strides = array<i32>} : memref<16x128xf32, #tpu.memory_space<vmem>>, vector<1x16xf32>,
      %swap3A_338 = arith.constant 6 : i32
      %swap3A_339 = arith.index_cast %swap3A_338 : i32 to index
      %swap3A_340 = arith.constant 96 : index
      %swap3A_341 = tpu.vector_load %arg9[%swap3A_339, %swap3A_340] {strides = array<i32>} : memref<16x128xf32, #tpu.memory_space<vmem>>, vector<1x16xf32>,
      %swap3A_342 = vector.shape_cast %swap3A_341 : vector<1x16xf32> to vector<16xf32>
      %swap3A_343 = vector.shape_cast %broadcast_in_dim3A_14 : vector<16xf32> to vector<1x16xf32>
      tpu.vector_store %arg9[%swap3A_339, %swap3A_340], %swap3A_343 {strides = array<i32>} : memref<16x128xf32, #tpu.memory_space<vmem>>, vector<1x16xf32>,
      %swap3A_344 = arith.constant 6 : i32
      %swap3A_345 = arith.index_cast %swap3A_344 : i32 to index
      %swap3A_346 = arith.constant 112 : index
      %swap3A_347 = tpu.vector_load %arg9[%swap3A_345, %swap3A_346] {strides = array<i32>} : memref<16x128xf32, #tpu.memory_space<vmem>>, vector<1x16xf32>,
      %swap3A_348 = vector.shape_cast %swap3A_347 : vector<1x16xf32> to vector<16xf32>
      %swap3A_349 = vector.shape_cast %broadcast_in_dim3A_14 : vector<16xf32> to vector<1x16xf32>
      tpu.vector_store %arg9[%swap3A_345, %swap3A_346], %swap3A_349 {strides = array<i32>} : memref<16x128xf32, #tpu.memory_space<vmem>>, vector<1x16xf32>,
      %swap3A_350 = arith.constant 7 : i32
      %swap3A_351 = arith.index_cast %swap3A_350 : i32 to index
      %swap3A_352 = arith.constant 0 : index
      %swap3A_353 = tpu.vector_load %arg9[%swap3A_351, %swap3A_352] {strides = array<i32>} : memref<16x128xf32, #tpu.memory_space<vmem>>, vector<1x16xf32>,
      %swap3A_354 = vector.shape_cast %swap3A_353 : vector<1x16xf32> to vector<16xf32>
      %swap3A_355 = vector.shape_cast %broadcast_in_dim3A_14 : vector<16xf32> to vector<1x16xf32>
      tpu.vector_store %arg9[%swap3A_351, %swap3A_352], %swap3A_355 {strides = array<i32>} : memref<16x128xf32, #tpu.memory_space<vmem>>, vector<1x16xf32>,
      %swap3A_356 = arith.constant 7 : i32
      %swap3A_357 = arith.index_cast %swap3A_356 : i32 to index
      %swap3A_358 = arith.constant 16 : index
      %swap3A_359 = tpu.vector_load %arg9[%swap3A_357, %swap3A_358] {strides = array<i32>} : memref<16x128xf32, #tpu.memory_space<vmem>>, vector<1x16xf32>,
      %swap3A_360 = vector.shape_cast %swap3A_359 : vector<1x16xf32> to vector<16xf32>
      %swap3A_361 = vector.shape_cast %broadcast_in_dim3A_14 : vector<16xf32> to vector<1x16xf32>
      tpu.vector_store %arg9[%swap3A_357, %swap3A_358], %swap3A_361 {strides = array<i32>} : memref<16x128xf32, #tpu.memory_space<vmem>>, vector<1x16xf32>,
      %swap3A_362 = arith.constant 7 : i32
      %swap3A_363 = arith.index_cast %swap3A_362 : i32 to index
      %swap3A_364 = arith.constant 32 : index
      %swap3A_365 = tpu.vector_load %arg9[%swap3A_363, %swap3A_364] {strides = array<i32>} : memref<16x128xf32, #tpu.memory_space<vmem>>, vector<1x16xf32>,
      %swap3A_366 = vector.shape_cast %swap3A_365 : vector<1x16xf32> to vector<16xf32>
      %swap3A_367 = vector.shape_cast %broadcast_in_dim3A_14 : vector<16xf32> to vector<1x16xf32>
      tpu.vector_store %arg9[%swap3A_363, %swap3A_364], %swap3A_367 {strides = array<i32>} : memref<16x128xf32, #tpu.memory_space<vmem>>, vector<1x16xf32>,
      %swap3A_368 = arith.constant 7 : i32
      %swap3A_369 = arith.index_cast %swap3A_368 : i32 to index
      %swap3A_370 = arith.constant 48 : index
      %swap3A_371 = tpu.vector_load %arg9[%swap3A_369, %swap3A_370] {strides = array<i32>} : memref<16x128xf32, #tpu.memory_space<vmem>>, vector<1x16xf32>,
      %swap3A_372 = vector.shape_cast %swap3A_371 : vector<1x16xf32> to vector<16xf32>
      %swap3A_373 = vector.shape_cast %broadcast_in_dim3A_14 : vector<16xf32> to vector<1x16xf32>
      tpu.vector_store %arg9[%swap3A_369, %swap3A_370], %swap3A_373 {strides = array<i32>} : memref<16x128xf32, #tpu.memory_space<vmem>>, vector<1x16xf32>,
      %swap3A_374 = arith.constant 7 : i32
      %swap3A_375 = arith.index_cast %swap3A_374 : i32 to index
      %swap3A_376 = arith.constant 64 : index
      %swap3A_377 = tpu.vector_load %arg9[%swap3A_375, %swap3A_376] {strides = array<i32>} : memref<16x128xf32, #tpu.memory_space<vmem>>, vector<1x16xf32>,
      %swap3A_378 = vector.shape_cast %swap3A_377 : vector<1x16xf32> to vector<16xf32>
      %swap3A_379 = vector.shape_cast %broadcast_in_dim3A_14 : vector<16xf32> to vector<1x16xf32>
      tpu.vector_store %arg9[%swap3A_375, %swap3A_376], %swap3A_379 {strides = array<i32>} : memref<16x128xf32, #tpu.memory_space<vmem>>, vector<1x16xf32>,
      %swap3A_380 = arith.constant 7 : i32
      %swap3A_381 = arith.index_cast %swap3A_380 : i32 to index
      %swap3A_382 = arith.constant 80 : index
      %swap3A_383 = tpu.vector_load %arg9[%swap3A_381, %swap3A_382] {strides = array<i32>} : memref<16x128xf32, #tpu.memory_space<vmem>>, vector<1x16xf32>,
      %swap3A_384 = vector.shape_cast %swap3A_383 : vector<1x16xf32> to vector<16xf32>
      %swap3A_385 = vector.shape_cast %broadcast_in_dim3A_14 : vector<16xf32> to vector<1x16xf32>
      tpu.vector_store %arg9[%swap3A_381, %swap3A_382], %swap3A_385 {strides = array<i32>} : memref<16x128xf32, #tpu.memory_space<vmem>>, vector<1x16xf32>,
      %swap3A_386 = arith.constant 7 : i32
      %swap3A_387 = arith.index_cast %swap3A_386 : i32 to index
      %swap3A_388 = arith.constant 96 : index
      %swap3A_389 = tpu.vector_load %arg9[%swap3A_387, %swap3A_388] {strides = array<i32>} : memref<16x128xf32, #tpu.memory_space<vmem>>, vector<1x16xf32>,
      %swap3A_390 = vector.shape_cast %swap3A_389 : vector<1x16xf32> to vector<16xf32>
      %swap3A_391 = vector.shape_cast %broadcast_in_dim3A_14 : vector<16xf32> to vector<1x16xf32>
      tpu.vector_store %arg9[%swap3A_387, %swap3A_388], %swap3A_391 {strides = array<i32>} : memref<16x128xf32, #tpu.memory_space<vmem>>, vector<1x16xf32>,
      %swap3A_392 = arith.constant 7 : i32
      %swap3A_393 = arith.index_cast %swap3A_392 : i32 to index
      %swap3A_394 = arith.constant 112 : index
      %swap3A_395 = tpu.vector_load %arg9[%swap3A_393, %swap3A_394] {strides = array<i32>} : memref<16x128xf32, #tpu.memory_space<vmem>>, vector<1x16xf32>,
      %swap3A_396 = vector.shape_cast %swap3A_395 : vector<1x16xf32> to vector<16xf32>
      %swap3A_397 = vector.shape_cast %broadcast_in_dim3A_14 : vector<16xf32> to vector<1x16xf32>
      tpu.vector_store %arg9[%swap3A_393, %swap3A_394], %swap3A_397 {strides = array<i32>} : memref<16x128xf32, #tpu.memory_space<vmem>>, vector<1x16xf32>,
      %swap3A_398 = arith.constant 8 : i32
      %swap3A_399 = arith.index_cast %swap3A_398 : i32 to index
      %swap3A_400 = arith.constant 0 : index
      %swap3A_401 = tpu.vector_load %arg9[%swap3A_399, %swap3A_400] {strides = array<i32>} : memref<16x128xf32, #tpu.memory_space<vmem>>, vector<1x16xf32>,
      %swap3A_402 = vector.shape_cast %swap3A_401 : vector<1x16xf32> to vector<16xf32>
      %swap3A_403 = vector.shape_cast %broadcast_in_dim3A_14 : vector<16xf32> to vector<1x16xf32>
      tpu.vector_store %arg9[%swap3A_399, %swap3A_400], %swap3A_403 {strides = array<i32>} : memref<16x128xf32, #tpu.memory_space<vmem>>, vector<1x16xf32>,
      %swap3A_404 = arith.constant 8 : i32
      %swap3A_405 = arith.index_cast %swap3A_404 : i32 to index
      %swap3A_406 = arith.constant 16 : index
      %swap3A_407 = tpu.vector_load %arg9[%swap3A_405, %swap3A_406] {strides = array<i32>} : memref<16x128xf32, #tpu.memory_space<vmem>>, vector<1x16xf32>,
      %swap3A_408 = vector.shape_cast %swap3A_407 : vector<1x16xf32> to vector<16xf32>
      %swap3A_409 = vector.shape_cast %broadcast_in_dim3A_14 : vector<16xf32> to vector<1x16xf32>
      tpu.vector_store %arg9[%swap3A_405, %swap3A_406], %swap3A_409 {strides = array<i32>} : memref<16x128xf32, #tpu.memory_space<vmem>>, vector<1x16xf32>,
      %swap3A_410 = arith.constant 8 : i32
      %swap3A_411 = arith.index_cast %swap3A_410 : i32 to index
      %swap3A_412 = arith.constant 32 : index
      %swap3A_413 = tpu.vector_load %arg9[%swap3A_411, %swap3A_412] {strides = array<i32>} : memref<16x128xf32, #tpu.memory_space<vmem>>, vector<1x16xf32>,
      %swap3A_414 = vector.shape_cast %swap3A_413 : vector<1x16xf32> to vector<16xf32>
      %swap3A_415 = vector.shape_cast %broadcast_in_dim3A_14 : vector<16xf32> to vector<1x16xf32>
      tpu.vector_store %arg9[%swap3A_411, %swap3A_412], %swap3A_415 {strides = array<i32>} : memref<16x128xf32, #tpu.memory_space<vmem>>, vector<1x16xf32>,
      %swap3A_416 = arith.constant 8 : i32
      %swap3A_417 = arith.index_cast %swap3A_416 : i32 to index
      %swap3A_418 = arith.constant 48 : index
      %swap3A_419 = tpu.vector_load %arg9[%swap3A_417, %swap3A_418] {strides = array<i32>} : memref<16x128xf32, #tpu.memory_space<vmem>>, vector<1x16xf32>,
      %swap3A_420 = vector.shape_cast %swap3A_419 : vector<1x16xf32> to vector<16xf32>
      %swap3A_421 = vector.shape_cast %broadcast_in_dim3A_14 : vector<16xf32> to vector<1x16xf32>
      tpu.vector_store %arg9[%swap3A_417, %swap3A_418], %swap3A_421 {strides = array<i32>} : memref<16x128xf32, #tpu.memory_space<vmem>>, vector<1x16xf32>,
      %swap3A_422 = arith.constant 8 : i32
      %swap3A_423 = arith.index_cast %swap3A_422 : i32 to index
      %swap3A_424 = arith.constant 64 : index
      %swap3A_425 = tpu.vector_load %arg9[%swap3A_423, %swap3A_424] {strides = array<i32>} : memref<16x128xf32, #tpu.memory_space<vmem>>, vector<1x16xf32>,
      %swap3A_426 = vector.shape_cast %swap3A_425 : vector<1x16xf32> to vector<16xf32>
      %swap3A_427 = vector.shape_cast %broadcast_in_dim3A_14 : vector<16xf32> to vector<1x16xf32>
      tpu.vector_store %arg9[%swap3A_423, %swap3A_424], %swap3A_427 {strides = array<i32>} : memref<16x128xf32, #tpu.memory_space<vmem>>, vector<1x16xf32>,
      %swap3A_428 = arith.constant 8 : i32
      %swap3A_429 = arith.index_cast %swap3A_428 : i32 to index
      %swap3A_430 = arith.constant 80 : index
      %swap3A_431 = tpu.vector_load %arg9[%swap3A_429, %swap3A_430] {strides = array<i32>} : memref<16x128xf32, #tpu.memory_space<vmem>>, vector<1x16xf32>,
      %swap3A_432 = vector.shape_cast %swap3A_431 : vector<1x16xf32> to vector<16xf32>
      %swap3A_433 = vector.shape_cast %broadcast_in_dim3A_14 : vector<16xf32> to vector<1x16xf32>
      tpu.vector_store %arg9[%swap3A_429, %swap3A_430], %swap3A_433 {strides = array<i32>} : memref<16x128xf32, #tpu.memory_space<vmem>>, vector<1x16xf32>,
      %swap3A_434 = arith.constant 8 : i32
      %swap3A_435 = arith.index_cast %swap3A_434 : i32 to index
      %swap3A_436 = arith.constant 96 : index
      %swap3A_437 = tpu.vector_load %arg9[%swap3A_435, %swap3A_436] {strides = array<i32>} : memref<16x128xf32, #tpu.memory_space<vmem>>, vector<1x16xf32>,
      %swap3A_438 = vector.shape_cast %swap3A_437 : vector<1x16xf32> to vector<16xf32>
      %swap3A_439 = vector.shape_cast %broadcast_in_dim3A_14 : vector<16xf32> to vector<1x16xf32>
      tpu.vector_store %arg9[%swap3A_435, %swap3A_436], %swap3A_439 {strides = array<i32>} : memref<16x128xf32, #tpu.memory_space<vmem>>, vector<1x16xf32>,
      %swap3A_440 = arith.constant 8 : i32
      %swap3A_441 = arith.index_cast %swap3A_440 : i32 to index
      %swap3A_442 = arith.constant 112 : index
      %swap3A_443 = tpu.vector_load %arg9[%swap3A_441, %swap3A_442] {strides = array<i32>} : memref<16x128xf32, #tpu.memory_space<vmem>>, vector<1x16xf32>,
      %swap3A_444 = vector.shape_cast %swap3A_443 : vector<1x16xf32> to vector<16xf32>
      %swap3A_445 = vector.shape_cast %broadcast_in_dim3A_14 : vector<16xf32> to vector<1x16xf32>
      tpu.vector_store %arg9[%swap3A_441, %swap3A_442], %swap3A_445 {strides = array<i32>} : memref<16x128xf32, #tpu.memory_space<vmem>>, vector<1x16xf32>,
      %swap3A_446 = arith.constant 9 : i32
      %swap3A_447 = arith.index_cast %swap3A_446 : i32 to index
      %swap3A_448 = arith.constant 0 : index
      %swap3A_449 = tpu.vector_load %arg9[%swap3A_447, %swap3A_448] {strides = array<i32>} : memref<16x128xf32, #tpu.memory_space<vmem>>, vector<1x16xf32>,
      %swap3A_450 = vector.shape_cast %swap3A_449 : vector<1x16xf32> to vector<16xf32>
      %swap3A_451 = vector.shape_cast %broadcast_in_dim3A_14 : vector<16xf32> to vector<1x16xf32>
      tpu.vector_store %arg9[%swap3A_447, %swap3A_448], %swap3A_451 {strides = array<i32>} : memref<16x128xf32, #tpu.memory_space<vmem>>, vector<1x16xf32>,
      %swap3A_452 = arith.constant 9 : i32
      %swap3A_453 = arith.index_cast %swap3A_452 : i32 to index
      %swap3A_454 = arith.constant 16 : index
      %swap3A_455 = tpu.vector_load %arg9[%swap3A_453, %swap3A_454] {strides = array<i32>} : memref<16x128xf32, #tpu.memory_space<vmem>>, vector<1x16xf32>,
      %swap3A_456 = vector.shape_cast %swap3A_455 : vector<1x16xf32> to vector<16xf32>
      %swap3A_457 = vector.shape_cast %broadcast_in_dim3A_14 : vector<16xf32> to vector<1x16xf32>
      tpu.vector_store %arg9[%swap3A_453, %swap3A_454], %swap3A_457 {strides = array<i32>} : memref<16x128xf32, #tpu.memory_space<vmem>>, vector<1x16xf32>,
      %swap3A_458 = arith.constant 9 : i32
      %swap3A_459 = arith.index_cast %swap3A_458 : i32 to index
      %swap3A_460 = arith.constant 32 : index
      %swap3A_461 = tpu.vector_load %arg9[%swap3A_459, %swap3A_460] {strides = array<i32>} : memref<16x128xf32, #tpu.memory_space<vmem>>, vector<1x16xf32>,
      %swap3A_462 = vector.shape_cast %swap3A_461 : vector<1x16xf32> to vector<16xf32>
      %swap3A_463 = vector.shape_cast %broadcast_in_dim3A_14 : vector<16xf32> to vector<1x16xf32>
      tpu.vector_store %arg9[%swap3A_459, %swap3A_460], %swap3A_463 {strides = array<i32>} : memref<16x128xf32, #tpu.memory_space<vmem>>, vector<1x16xf32>,
      %swap3A_464 = arith.constant 9 : i32
      %swap3A_465 = arith.index_cast %swap3A_464 : i32 to index
      %swap3A_466 = arith.constant 48 : index
      %swap3A_467 = tpu.vector_load %arg9[%swap3A_465, %swap3A_466] {strides = array<i32>} : memref<16x128xf32, #tpu.memory_space<vmem>>, vector<1x16xf32>,
      %swap3A_468 = vector.shape_cast %swap3A_467 : vector<1x16xf32> to vector<16xf32>
      %swap3A_469 = vector.shape_cast %broadcast_in_dim3A_14 : vector<16xf32> to vector<1x16xf32>
      tpu.vector_store %arg9[%swap3A_465, %swap3A_466], %swap3A_469 {strides = array<i32>} : memref<16x128xf32, #tpu.memory_space<vmem>>, vector<1x16xf32>,
      %swap3A_470 = arith.constant 9 : i32
      %swap3A_471 = arith.index_cast %swap3A_470 : i32 to index
      %swap3A_472 = arith.constant 64 : index
      %swap3A_473 = tpu.vector_load %arg9[%swap3A_471, %swap3A_472] {strides = array<i32>} : memref<16x128xf32, #tpu.memory_space<vmem>>, vector<1x16xf32>,
      %swap3A_474 = vector.shape_cast %swap3A_473 : vector<1x16xf32> to vector<16xf32>
      %swap3A_475 = vector.shape_cast %broadcast_in_dim3A_14 : vector<16xf32> to vector<1x16xf32>
      tpu.vector_store %arg9[%swap3A_471, %swap3A_472], %swap3A_475 {strides = array<i32>} : memref<16x128xf32, #tpu.memory_space<vmem>>, vector<1x16xf32>,
      %swap3A_476 = arith.constant 9 : i32
      %swap3A_477 = arith.index_cast %swap3A_476 : i32 to index
      %swap3A_478 = arith.constant 80 : index
      %swap3A_479 = tpu.vector_load %arg9[%swap3A_477, %swap3A_478] {strides = array<i32>} : memref<16x128xf32, #tpu.memory_space<vmem>>, vector<1x16xf32>,
      %swap3A_480 = vector.shape_cast %swap3A_479 : vector<1x16xf32> to vector<16xf32>
      %swap3A_481 = vector.shape_cast %broadcast_in_dim3A_14 : vector<16xf32> to vector<1x16xf32>
      tpu.vector_store %arg9[%swap3A_477, %swap3A_478], %swap3A_481 {strides = array<i32>} : memref<16x128xf32, #tpu.memory_space<vmem>>, vector<1x16xf32>,
      %swap3A_482 = arith.constant 9 : i32
      %swap3A_483 = arith.index_cast %swap3A_482 : i32 to index
      %swap3A_484 = arith.constant 96 : index
      %swap3A_485 = tpu.vector_load %arg9[%swap3A_483, %swap3A_484] {strides = array<i32>} : memref<16x128xf32, #tpu.memory_space<vmem>>, vector<1x16xf32>,
      %swap3A_486 = vector.shape_cast %swap3A_485 : vector<1x16xf32> to vector<16xf32>
      %swap3A_487 = vector.shape_cast %broadcast_in_dim3A_14 : vector<16xf32> to vector<1x16xf32>
      tpu.vector_store %arg9[%swap3A_483, %swap3A_484], %swap3A_487 {strides = array<i32>} : memref<16x128xf32, #tpu.memory_space<vmem>>, vector<1x16xf32>,
      %swap3A_488 = arith.constant 9 : i32
      %swap3A_489 = arith.index_cast %swap3A_488 : i32 to index
      %swap3A_490 = arith.constant 112 : index
      %swap3A_491 = tpu.vector_load %arg9[%swap3A_489, %swap3A_490] {strides = array<i32>} : memref<16x128xf32, #tpu.memory_space<vmem>>, vector<1x16xf32>,
      %swap3A_492 = vector.shape_cast %swap3A_491 : vector<1x16xf32> to vector<16xf32>
      %swap3A_493 = vector.shape_cast %broadcast_in_dim3A_14 : vector<16xf32> to vector<1x16xf32>
      tpu.vector_store %arg9[%swap3A_489, %swap3A_490], %swap3A_493 {strides = array<i32>} : memref<16x128xf32, #tpu.memory_space<vmem>>, vector<1x16xf32>,
      %swap3A_494 = arith.constant 10 : i32
      %swap3A_495 = arith.index_cast %swap3A_494 : i32 to index
      %swap3A_496 = arith.constant 0 : index
      %swap3A_497 = tpu.vector_load %arg9[%swap3A_495, %swap3A_496] {strides = array<i32>} : memref<16x128xf32, #tpu.memory_space<vmem>>, vector<1x16xf32>,
      %swap3A_498 = vector.shape_cast %swap3A_497 : vector<1x16xf32> to vector<16xf32>
      %swap3A_499 = vector.shape_cast %broadcast_in_dim3A_14 : vector<16xf32> to vector<1x16xf32>
      tpu.vector_store %arg9[%swap3A_495, %swap3A_496], %swap3A_499 {strides = array<i32>} : memref<16x128xf32, #tpu.memory_space<vmem>>, vector<1x16xf32>,
      %swap3A_500 = arith.constant 10 : i32
      %swap3A_501 = arith.index_cast %swap3A_500 : i32 to index
      %swap3A_502 = arith.constant 16 : index
      %swap3A_503 = tpu.vector_load %arg9[%swap3A_501, %swap3A_502] {strides = array<i32>} : memref<16x128xf32, #tpu.memory_space<vmem>>, vector<1x16xf32>,
      %swap3A_504 = vector.shape_cast %swap3A_503 : vector<1x16xf32> to vector<16xf32>
      %swap3A_505 = vector.shape_cast %broadcast_in_dim3A_14 : vector<16xf32> to vector<1x16xf32>
      tpu.vector_store %arg9[%swap3A_501, %swap3A_502], %swap3A_505 {strides = array<i32>} : memref<16x128xf32, #tpu.memory_space<vmem>>, vector<1x16xf32>,
      %swap3A_506 = arith.constant 10 : i32
      %swap3A_507 = arith.index_cast %swap3A_506 : i32 to index
      %swap3A_508 = arith.constant 32 : index
      %swap3A_509 = tpu.vector_load %arg9[%swap3A_507, %swap3A_508] {strides = array<i32>} : memref<16x128xf32, #tpu.memory_space<vmem>>, vector<1x16xf32>,
      %swap3A_510 = vector.shape_cast %swap3A_509 : vector<1x16xf32> to vector<16xf32>
      %swap3A_511 = vector.shape_cast %broadcast_in_dim3A_14 : vector<16xf32> to vector<1x16xf32>
      tpu.vector_store %arg9[%swap3A_507, %swap3A_508], %swap3A_511 {strides = array<i32>} : memref<16x128xf32, #tpu.memory_space<vmem>>, vector<1x16xf32>,
      %swap3A_512 = arith.constant 10 : i32
      %swap3A_513 = arith.index_cast %swap3A_512 : i32 to index
      %swap3A_514 = arith.constant 48 : index
      %swap3A_515 = tpu.vector_load %arg9[%swap3A_513, %swap3A_514] {strides = array<i32>} : memref<16x128xf32, #tpu.memory_space<vmem>>, vector<1x16xf32>,
      %swap3A_516 = vector.shape_cast %swap3A_515 : vector<1x16xf32> to vector<16xf32>
      %swap3A_517 = vector.shape_cast %broadcast_in_dim3A_14 : vector<16xf32> to vector<1x16xf32>
      tpu.vector_store %arg9[%swap3A_513, %swap3A_514], %swap3A_517 {strides = array<i32>} : memref<16x128xf32, #tpu.memory_space<vmem>>, vector<1x16xf32>,
      %swap3A_518 = arith.constant 10 : i32
      %swap3A_519 = arith.index_cast %swap3A_518 : i32 to index
      %swap3A_520 = arith.constant 64 : index
      %swap3A_521 = tpu.vector_load %arg9[%swap3A_519, %swap3A_520] {strides = array<i32>} : memref<16x128xf32, #tpu.memory_space<vmem>>, vector<1x16xf32>,
      %swap3A_522 = vector.shape_cast %swap3A_521 : vector<1x16xf32> to vector<16xf32>
      %swap3A_523 = vector.shape_cast %broadcast_in_dim3A_14 : vector<16xf32> to vector<1x16xf32>
      tpu.vector_store %arg9[%swap3A_519, %swap3A_520], %swap3A_523 {strides = array<i32>} : memref<16x128xf32, #tpu.memory_space<vmem>>, vector<1x16xf32>,
      %swap3A_524 = arith.constant 10 : i32
      %swap3A_525 = arith.index_cast %swap3A_524 : i32 to index
      %swap3A_526 = arith.constant 80 : index
      %swap3A_527 = tpu.vector_load %arg9[%swap3A_525, %swap3A_526] {strides = array<i32>} : memref<16x128xf32, #tpu.memory_space<vmem>>, vector<1x16xf32>,
      %swap3A_528 = vector.shape_cast %swap3A_527 : vector<1x16xf32> to vector<16xf32>
      %swap3A_529 = vector.shape_cast %broadcast_in_dim3A_14 : vector<16xf32> to vector<1x16xf32>
      tpu.vector_store %arg9[%swap3A_525, %swap3A_526], %swap3A_529 {strides = array<i32>} : memref<16x128xf32, #tpu.memory_space<vmem>>, vector<1x16xf32>,
      %swap3A_530 = arith.constant 10 : i32
      %swap3A_531 = arith.index_cast %swap3A_530 : i32 to index
      %swap3A_532 = arith.constant 96 : index
      %swap3A_533 = tpu.vector_load %arg9[%swap3A_531, %swap3A_532] {strides = array<i32>} : memref<16x128xf32, #tpu.memory_space<vmem>>, vector<1x16xf32>,
      %swap3A_534 = vector.shape_cast %swap3A_533 : vector<1x16xf32> to vector<16xf32>
      %swap3A_535 = vector.shape_cast %broadcast_in_dim3A_14 : vector<16xf32> to vector<1x16xf32>
      tpu.vector_store %arg9[%swap3A_531, %swap3A_532], %swap3A_535 {strides = array<i32>} : memref<16x128xf32, #tpu.memory_space<vmem>>, vector<1x16xf32>,
      %swap3A_536 = arith.constant 10 : i32
      %swap3A_537 = arith.index_cast %swap3A_536 : i32 to index
      %swap3A_538 = arith.constant 112 : index
      %swap3A_539 = tpu.vector_load %arg9[%swap3A_537, %swap3A_538] {strides = array<i32>} : memref<16x128xf32, #tpu.memory_space<vmem>>, vector<1x16xf32>,
      %swap3A_540 = vector.shape_cast %swap3A_539 : vector<1x16xf32> to vector<16xf32>
      %swap3A_541 = vector.shape_cast %broadcast_in_dim3A_14 : vector<16xf32> to vector<1x16xf32>
      tpu.vector_store %arg9[%swap3A_537, %swap3A_538], %swap3A_541 {strides = array<i32>} : memref<16x128xf32, #tpu.memory_space<vmem>>, vector<1x16xf32>,
      %swap3A_542 = arith.constant 11 : i32
      %swap3A_543 = arith.index_cast %swap3A_542 : i32 to index
      %swap3A_544 = arith.constant 0 : index
      %swap3A_545 = tpu.vector_load %arg9[%swap3A_543, %swap3A_544] {strides = array<i32>} : memref<16x128xf32, #tpu.memory_space<vmem>>, vector<1x16xf32>,
      %swap3A_546 = vector.shape_cast %swap3A_545 : vector<1x16xf32> to vector<16xf32>
      %swap3A_547 = vector.shape_cast %broadcast_in_dim3A_14 : vector<16xf32> to vector<1x16xf32>
      tpu.vector_store %arg9[%swap3A_543, %swap3A_544], %swap3A_547 {strides = array<i32>} : memref<16x128xf32, #tpu.memory_space<vmem>>, vector<1x16xf32>,
      %swap3A_548 = arith.constant 11 : i32
      %swap3A_549 = arith.index_cast %swap3A_548 : i32 to index
      %swap3A_550 = arith.constant 16 : index
      %swap3A_551 = tpu.vector_load %arg9[%swap3A_549, %swap3A_550] {strides = array<i32>} : memref<16x128xf32, #tpu.memory_space<vmem>>, vector<1x16xf32>,
      %swap3A_552 = vector.shape_cast %swap3A_551 : vector<1x16xf32> to vector<16xf32>
      %swap3A_553 = vector.shape_cast %broadcast_in_dim3A_14 : vector<16xf32> to vector<1x16xf32>
      tpu.vector_store %arg9[%swap3A_549, %swap3A_550], %swap3A_553 {strides = array<i32>} : memref<16x128xf32, #tpu.memory_space<vmem>>, vector<1x16xf32>,
      %swap3A_554 = arith.constant 11 : i32
      %swap3A_555 = arith.index_cast %swap3A_554 : i32 to index
      %swap3A_556 = arith.constant 32 : index
      %swap3A_557 = tpu.vector_load %arg9[%swap3A_555, %swap3A_556] {strides = array<i32>} : memref<16x128xf32, #tpu.memory_space<vmem>>, vector<1x16xf32>,
      %swap3A_558 = vector.shape_cast %swap3A_557 : vector<1x16xf32> to vector<16xf32>
      %swap3A_559 = vector.shape_cast %broadcast_in_dim3A_14 : vector<16xf32> to vector<1x16xf32>
      tpu.vector_store %arg9[%swap3A_555, %swap3A_556], %swap3A_559 {strides = array<i32>} : memref<16x128xf32, #tpu.memory_space<vmem>>, vector<1x16xf32>,
      %swap3A_560 = arith.constant 11 : i32
      %swap3A_561 = arith.index_cast %swap3A_560 : i32 to index
      %swap3A_562 = arith.constant 48 : index
      %swap3A_563 = tpu.vector_load %arg9[%swap3A_561, %swap3A_562] {strides = array<i32>} : memref<16x128xf32, #tpu.memory_space<vmem>>, vector<1x16xf32>,
      %swap3A_564 = vector.shape_cast %swap3A_563 : vector<1x16xf32> to vector<16xf32>
      %swap3A_565 = vector.shape_cast %broadcast_in_dim3A_14 : vector<16xf32> to vector<1x16xf32>
      tpu.vector_store %arg9[%swap3A_561, %swap3A_562], %swap3A_565 {strides = array<i32>} : memref<16x128xf32, #tpu.memory_space<vmem>>, vector<1x16xf32>,
      %swap3A_566 = arith.constant 11 : i32
      %swap3A_567 = arith.index_cast %swap3A_566 : i32 to index
      %swap3A_568 = arith.constant 64 : index
      %swap3A_569 = tpu.vector_load %arg9[%swap3A_567, %swap3A_568] {strides = array<i32>} : memref<16x128xf32, #tpu.memory_space<vmem>>, vector<1x16xf32>,
      %swap3A_570 = vector.shape_cast %swap3A_569 : vector<1x16xf32> to vector<16xf32>
      %swap3A_571 = vector.shape_cast %broadcast_in_dim3A_14 : vector<16xf32> to vector<1x16xf32>
      tpu.vector_store %arg9[%swap3A_567, %swap3A_568], %swap3A_571 {strides = array<i32>} : memref<16x128xf32, #tpu.memory_space<vmem>>, vector<1x16xf32>,
      %swap3A_572 = arith.constant 11 : i32
      %swap3A_573 = arith.index_cast %swap3A_572 : i32 to index
      %swap3A_574 = arith.constant 80 : index
      %swap3A_575 = tpu.vector_load %arg9[%swap3A_573, %swap3A_574] {strides = array<i32>} : memref<16x128xf32, #tpu.memory_space<vmem>>, vector<1x16xf32>,
      %swap3A_576 = vector.shape_cast %swap3A_575 : vector<1x16xf32> to vector<16xf32>
      %swap3A_577 = vector.shape_cast %broadcast_in_dim3A_14 : vector<16xf32> to vector<1x16xf32>
      tpu.vector_store %arg9[%swap3A_573, %swap3A_574], %swap3A_577 {strides = array<i32>} : memref<16x128xf32, #tpu.memory_space<vmem>>, vector<1x16xf32>,
      %swap3A_578 = arith.constant 11 : i32
      %swap3A_579 = arith.index_cast %swap3A_578 : i32 to index
      %swap3A_580 = arith.constant 96 : index
      %swap3A_581 = tpu.vector_load %arg9[%swap3A_579, %swap3A_580] {strides = array<i32>} : memref<16x128xf32, #tpu.memory_space<vmem>>, vector<1x16xf32>,
      %swap3A_582 = vector.shape_cast %swap3A_581 : vector<1x16xf32> to vector<16xf32>
      %swap3A_583 = vector.shape_cast %broadcast_in_dim3A_14 : vector<16xf32> to vector<1x16xf32>
      tpu.vector_store %arg9[%swap3A_579, %swap3A_580], %swap3A_583 {strides = array<i32>} : memref<16x128xf32, #tpu.memory_space<vmem>>, vector<1x16xf32>,
      %swap3A_584 = arith.constant 11 : i32
      %swap3A_585 = arith.index_cast %swap3A_584 : i32 to index
      %swap3A_586 = arith.constant 112 : index
      %swap3A_587 = tpu.vector_load %arg9[%swap3A_585, %swap3A_586] {strides = array<i32>} : memref<16x128xf32, #tpu.memory_space<vmem>>, vector<1x16xf32>,
      %swap3A_588 = vector.shape_cast %swap3A_587 : vector<1x16xf32> to vector<16xf32>
      %swap3A_589 = vector.shape_cast %broadcast_in_dim3A_14 : vector<16xf32> to vector<1x16xf32>
      tpu.vector_store %arg9[%swap3A_585, %swap3A_586], %swap3A_589 {strides = array<i32>} : memref<16x128xf32, #tpu.memory_space<vmem>>, vector<1x16xf32>,
      %swap3A_590 = arith.constant 12 : i32
      %swap3A_591 = arith.index_cast %swap3A_590 : i32 to index
      %swap3A_592 = arith.constant 0 : index
      %swap3A_593 = tpu.vector_load %arg9[%swap3A_591, %swap3A_592] {strides = array<i32>} : memref<16x128xf32, #tpu.memory_space<vmem>>, vector<1x16xf32>,
      %swap3A_594 = vector.shape_cast %swap3A_593 : vector<1x16xf32> to vector<16xf32>
      %swap3A_595 = vector.shape_cast %broadcast_in_dim3A_14 : vector<16xf32> to vector<1x16xf32>
      tpu.vector_store %arg9[%swap3A_591, %swap3A_592], %swap3A_595 {strides = array<i32>} : memref<16x128xf32, #tpu.memory_space<vmem>>, vector<1x16xf32>,
      %swap3A_596 = arith.constant 12 : i32
      %swap3A_597 = arith.index_cast %swap3A_596 : i32 to index
      %swap3A_598 = arith.constant 16 : index
      %swap3A_599 = tpu.vector_load %arg9[%swap3A_597, %swap3A_598] {strides = array<i32>} : memref<16x128xf32, #tpu.memory_space<vmem>>, vector<1x16xf32>,
      %swap3A_600 = vector.shape_cast %swap3A_599 : vector<1x16xf32> to vector<16xf32>
      %swap3A_601 = vector.shape_cast %broadcast_in_dim3A_14 : vector<16xf32> to vector<1x16xf32>
      tpu.vector_store %arg9[%swap3A_597, %swap3A_598], %swap3A_601 {strides = array<i32>} : memref<16x128xf32, #tpu.memory_space<vmem>>, vector<1x16xf32>,
      %swap3A_602 = arith.constant 12 : i32
      %swap3A_603 = arith.index_cast %swap3A_602 : i32 to index
      %swap3A_604 = arith.constant 32 : index
      %swap3A_605 = tpu.vector_load %arg9[%swap3A_603, %swap3A_604] {strides = array<i32>} : memref<16x128xf32, #tpu.memory_space<vmem>>, vector<1x16xf32>,
      %swap3A_606 = vector.shape_cast %swap3A_605 : vector<1x16xf32> to vector<16xf32>
      %swap3A_607 = vector.shape_cast %broadcast_in_dim3A_14 : vector<16xf32> to vector<1x16xf32>
      tpu.vector_store %arg9[%swap3A_603, %swap3A_604], %swap3A_607 {strides = array<i32>} : memref<16x128xf32, #tpu.memory_space<vmem>>, vector<1x16xf32>,
      %swap3A_608 = arith.constant 12 : i32
      %swap3A_609 = arith.index_cast %swap3A_608 : i32 to index
      %swap3A_610 = arith.constant 48 : index
      %swap3A_611 = tpu.vector_load %arg9[%swap3A_609, %swap3A_610] {strides = array<i32>} : memref<16x128xf32, #tpu.memory_space<vmem>>, vector<1x16xf32>,
      %swap3A_612 = vector.shape_cast %swap3A_611 : vector<1x16xf32> to vector<16xf32>
      %swap3A_613 = vector.shape_cast %broadcast_in_dim3A_14 : vector<16xf32> to vector<1x16xf32>
      tpu.vector_store %arg9[%swap3A_609, %swap3A_610], %swap3A_613 {strides = array<i32>} : memref<16x128xf32, #tpu.memory_space<vmem>>, vector<1x16xf32>,
      %swap3A_614 = arith.constant 12 : i32
      %swap3A_615 = arith.index_cast %swap3A_614 : i32 to index
      %swap3A_616 = arith.constant 64 : index
      %swap3A_617 = tpu.vector_load %arg9[%swap3A_615, %swap3A_616] {strides = array<i32>} : memref<16x128xf32, #tpu.memory_space<vmem>>, vector<1x16xf32>,
      %swap3A_618 = vector.shape_cast %swap3A_617 : vector<1x16xf32> to vector<16xf32>
      %swap3A_619 = vector.shape_cast %broadcast_in_dim3A_14 : vector<16xf32> to vector<1x16xf32>
      tpu.vector_store %arg9[%swap3A_615, %swap3A_616], %swap3A_619 {strides = array<i32>} : memref<16x128xf32, #tpu.memory_space<vmem>>, vector<1x16xf32>,
      %swap3A_620 = arith.constant 12 : i32
      %swap3A_621 = arith.index_cast %swap3A_620 : i32 to index
      %swap3A_622 = arith.constant 80 : index
      %swap3A_623 = tpu.vector_load %arg9[%swap3A_621, %swap3A_622] {strides = array<i32>} : memref<16x128xf32, #tpu.memory_space<vmem>>, vector<1x16xf32>,
      %swap3A_624 = vector.shape_cast %swap3A_623 : vector<1x16xf32> to vector<16xf32>
      %swap3A_625 = vector.shape_cast %broadcast_in_dim3A_14 : vector<16xf32> to vector<1x16xf32>
      tpu.vector_store %arg9[%swap3A_621, %swap3A_622], %swap3A_625 {strides = array<i32>} : memref<16x128xf32, #tpu.memory_space<vmem>>, vector<1x16xf32>,
      %swap3A_626 = arith.constant 12 : i32
      %swap3A_627 = arith.index_cast %swap3A_626 : i32 to index
      %swap3A_628 = arith.constant 96 : index
      %swap3A_629 = tpu.vector_load %arg9[%swap3A_627, %swap3A_628] {strides = array<i32>} : memref<16x128xf32, #tpu.memory_space<vmem>>, vector<1x16xf32>,
      %swap3A_630 = vector.shape_cast %swap3A_629 : vector<1x16xf32> to vector<16xf32>
      %swap3A_631 = vector.shape_cast %broadcast_in_dim3A_14 : vector<16xf32> to vector<1x16xf32>
      tpu.vector_store %arg9[%swap3A_627, %swap3A_628], %swap3A_631 {strides = array<i32>} : memref<16x128xf32, #tpu.memory_space<vmem>>, vector<1x16xf32>,
      %swap3A_632 = arith.constant 12 : i32
      %swap3A_633 = arith.index_cast %swap3A_632 : i32 to index
      %swap3A_634 = arith.constant 112 : index
      %swap3A_635 = tpu.vector_load %arg9[%swap3A_633, %swap3A_634] {strides = array<i32>} : memref<16x128xf32, #tpu.memory_space<vmem>>, vector<1x16xf32>,
      %swap3A_636 = vector.shape_cast %swap3A_635 : vector<1x16xf32> to vector<16xf32>
      %swap3A_637 = vector.shape_cast %broadcast_in_dim3A_14 : vector<16xf32> to vector<1x16xf32>
      tpu.vector_store %arg9[%swap3A_633, %swap3A_634], %swap3A_637 {strides = array<i32>} : memref<16x128xf32, #tpu.memory_space<vmem>>, vector<1x16xf32>,
      %swap3A_638 = arith.constant 13 : i32
      %swap3A_639 = arith.index_cast %swap3A_638 : i32 to index
      %swap3A_640 = arith.constant 0 : index
      %swap3A_641 = tpu.vector_load %arg9[%swap3A_639, %swap3A_640] {strides = array<i32>} : memref<16x128xf32, #tpu.memory_space<vmem>>, vector<1x16xf32>,
      %swap3A_642 = vector.shape_cast %swap3A_641 : vector<1x16xf32> to vector<16xf32>
      %swap3A_643 = vector.shape_cast %broadcast_in_dim3A_14 : vector<16xf32> to vector<1x16xf32>
      tpu.vector_store %arg9[%swap3A_639, %swap3A_640], %swap3A_643 {strides = array<i32>} : memref<16x128xf32, #tpu.memory_space<vmem>>, vector<1x16xf32>,
      %swap3A_644 = arith.constant 13 : i32
      %swap3A_645 = arith.index_cast %swap3A_644 : i32 to index
      %swap3A_646 = arith.constant 16 : index
      %swap3A_647 = tpu.vector_load %arg9[%swap3A_645, %swap3A_646] {strides = array<i32>} : memref<16x128xf32, #tpu.memory_space<vmem>>, vector<1x16xf32>,
      %swap3A_648 = vector.shape_cast %swap3A_647 : vector<1x16xf32> to vector<16xf32>
      %swap3A_649 = vector.shape_cast %broadcast_in_dim3A_14 : vector<16xf32> to vector<1x16xf32>
      tpu.vector_store %arg9[%swap3A_645, %swap3A_646], %swap3A_649 {strides = array<i32>} : memref<16x128xf32, #tpu.memory_space<vmem>>, vector<1x16xf32>,
      %swap3A_650 = arith.constant 13 : i32
      %swap3A_651 = arith.index_cast %swap3A_650 : i32 to index
      %swap3A_652 = arith.constant 32 : index
      %swap3A_653 = tpu.vector_load %arg9[%swap3A_651, %swap3A_652] {strides = array<i32>} : memref<16x128xf32, #tpu.memory_space<vmem>>, vector<1x16xf32>,
      %swap3A_654 = vector.shape_cast %swap3A_653 : vector<1x16xf32> to vector<16xf32>
      %swap3A_655 = vector.shape_cast %broadcast_in_dim3A_14 : vector<16xf32> to vector<1x16xf32>
      tpu.vector_store %arg9[%swap3A_651, %swap3A_652], %swap3A_655 {strides = array<i32>} : memref<16x128xf32, #tpu.memory_space<vmem>>, vector<1x16xf32>,
      %swap3A_656 = arith.constant 13 : i32
      %swap3A_657 = arith.index_cast %swap3A_656 : i32 to index
      %swap3A_658 = arith.constant 48 : index
      %swap3A_659 = tpu.vector_load %arg9[%swap3A_657, %swap3A_658] {strides = array<i32>} : memref<16x128xf32, #tpu.memory_space<vmem>>, vector<1x16xf32>,
      %swap3A_660 = vector.shape_cast %swap3A_659 : vector<1x16xf32> to vector<16xf32>
      %swap3A_661 = vector.shape_cast %broadcast_in_dim3A_14 : vector<16xf32> to vector<1x16xf32>
      tpu.vector_store %arg9[%swap3A_657, %swap3A_658], %swap3A_661 {strides = array<i32>} : memref<16x128xf32, #tpu.memory_space<vmem>>, vector<1x16xf32>,
      %swap3A_662 = arith.constant 13 : i32
      %swap3A_663 = arith.index_cast %swap3A_662 : i32 to index
      %swap3A_664 = arith.constant 64 : index
      %swap3A_665 = tpu.vector_load %arg9[%swap3A_663, %swap3A_664] {strides = array<i32>} : memref<16x128xf32, #tpu.memory_space<vmem>>, vector<1x16xf32>,
      %swap3A_666 = vector.shape_cast %swap3A_665 : vector<1x16xf32> to vector<16xf32>
      %swap3A_667 = vector.shape_cast %broadcast_in_dim3A_14 : vector<16xf32> to vector<1x16xf32>
      tpu.vector_store %arg9[%swap3A_663, %swap3A_664], %swap3A_667 {strides = array<i32>} : memref<16x128xf32, #tpu.memory_space<vmem>>, vector<1x16xf32>,
      %swap3A_668 = arith.constant 13 : i32
      %swap3A_669 = arith.index_cast %swap3A_668 : i32 to index
      %swap3A_670 = arith.constant 80 : index
      %swap3A_671 = tpu.vector_load %arg9[%swap3A_669, %swap3A_670] {strides = array<i32>} : memref<16x128xf32, #tpu.memory_space<vmem>>, vector<1x16xf32>,
      %swap3A_672 = vector.shape_cast %swap3A_671 : vector<1x16xf32> to vector<16xf32>
      %swap3A_673 = vector.shape_cast %broadcast_in_dim3A_14 : vector<16xf32> to vector<1x16xf32>
      tpu.vector_store %arg9[%swap3A_669, %swap3A_670], %swap3A_673 {strides = array<i32>} : memref<16x128xf32, #tpu.memory_space<vmem>>, vector<1x16xf32>,
      %swap3A_674 = arith.constant 13 : i32
      %swap3A_675 = arith.index_cast %swap3A_674 : i32 to index
      %swap3A_676 = arith.constant 96 : index
      %swap3A_677 = tpu.vector_load %arg9[%swap3A_675, %swap3A_676] {strides = array<i32>} : memref<16x128xf32, #tpu.memory_space<vmem>>, vector<1x16xf32>,
      %swap3A_678 = vector.shape_cast %swap3A_677 : vector<1x16xf32> to vector<16xf32>
      %swap3A_679 = vector.shape_cast %broadcast_in_dim3A_14 : vector<16xf32> to vector<1x16xf32>
      tpu.vector_store %arg9[%swap3A_675, %swap3A_676], %swap3A_679 {strides = array<i32>} : memref<16x128xf32, #tpu.memory_space<vmem>>, vector<1x16xf32>,
      %swap3A_680 = arith.constant 13 : i32
      %swap3A_681 = arith.index_cast %swap3A_680 : i32 to index
      %swap3A_682 = arith.constant 112 : index
      %swap3A_683 = tpu.vector_load %arg9[%swap3A_681, %swap3A_682] {strides = array<i32>} : memref<16x128xf32, #tpu.memory_space<vmem>>, vector<1x16xf32>,
      %swap3A_684 = vector.shape_cast %swap3A_683 : vector<1x16xf32> to vector<16xf32>
      %swap3A_685 = vector.shape_cast %broadcast_in_dim3A_14 : vector<16xf32> to vector<1x16xf32>
      tpu.vector_store %arg9[%swap3A_681, %swap3A_682], %swap3A_685 {strides = array<i32>} : memref<16x128xf32, #tpu.memory_space<vmem>>, vector<1x16xf32>,
      %swap3A_686 = arith.constant 14 : i32
      %swap3A_687 = arith.index_cast %swap3A_686 : i32 to index
      %swap3A_688 = arith.constant 0 : index
      %swap3A_689 = tpu.vector_load %arg9[%swap3A_687, %swap3A_688] {strides = array<i32>} : memref<16x128xf32, #tpu.memory_space<vmem>>, vector<1x16xf32>,
      %swap3A_690 = vector.shape_cast %swap3A_689 : vector<1x16xf32> to vector<16xf32>
      %swap3A_691 = vector.shape_cast %broadcast_in_dim3A_14 : vector<16xf32> to vector<1x16xf32>
      tpu.vector_store %arg9[%swap3A_687, %swap3A_688], %swap3A_691 {strides = array<i32>} : memref<16x128xf32, #tpu.memory_space<vmem>>, vector<1x16xf32>,
      %swap3A_692 = arith.constant 14 : i32
      %swap3A_693 = arith.index_cast %swap3A_692 : i32 to index
      %swap3A_694 = arith.constant 16 : index
      %swap3A_695 = tpu.vector_load %arg9[%swap3A_693, %swap3A_694] {strides = array<i32>} : memref<16x128xf32, #tpu.memory_space<vmem>>, vector<1x16xf32>,
      %swap3A_696 = vector.shape_cast %swap3A_695 : vector<1x16xf32> to vector<16xf32>
      %swap3A_697 = vector.shape_cast %broadcast_in_dim3A_14 : vector<16xf32> to vector<1x16xf32>
      tpu.vector_store %arg9[%swap3A_693, %swap3A_694], %swap3A_697 {strides = array<i32>} : memref<16x128xf32, #tpu.memory_space<vmem>>, vector<1x16xf32>,
      %swap3A_698 = arith.constant 14 : i32
      %swap3A_699 = arith.index_cast %swap3A_698 : i32 to index
      %swap3A_700 = arith.constant 32 : index
      %swap3A_701 = tpu.vector_load %arg9[%swap3A_699, %swap3A_700] {strides = array<i32>} : memref<16x128xf32, #tpu.memory_space<vmem>>, vector<1x16xf32>,
      %swap3A_702 = vector.shape_cast %swap3A_701 : vector<1x16xf32> to vector<16xf32>
      %swap3A_703 = vector.shape_cast %broadcast_in_dim3A_14 : vector<16xf32> to vector<1x16xf32>
      tpu.vector_store %arg9[%swap3A_699, %swap3A_700], %swap3A_703 {strides = array<i32>} : memref<16x128xf32, #tpu.memory_space<vmem>>, vector<1x16xf32>,
      %swap3A_704 = arith.constant 14 : i32
      %swap3A_705 = arith.index_cast %swap3A_704 : i32 to index
      %swap3A_706 = arith.constant 48 : index
      %swap3A_707 = tpu.vector_load %arg9[%swap3A_705, %swap3A_706] {strides = array<i32>} : memref<16x128xf32, #tpu.memory_space<vmem>>, vector<1x16xf32>,
      %swap3A_708 = vector.shape_cast %swap3A_707 : vector<1x16xf32> to vector<16xf32>
      %swap3A_709 = vector.shape_cast %broadcast_in_dim3A_14 : vector<16xf32> to vector<1x16xf32>
      tpu.vector_store %arg9[%swap3A_705, %swap3A_706], %swap3A_709 {strides = array<i32>} : memref<16x128xf32, #tpu.memory_space<vmem>>, vector<1x16xf32>,
      %swap3A_710 = arith.constant 14 : i32
      %swap3A_711 = arith.index_cast %swap3A_710 : i32 to index
      %swap3A_712 = arith.constant 64 : index
      %swap3A_713 = tpu.vector_load %arg9[%swap3A_711, %swap3A_712] {strides = array<i32>} : memref<16x128xf32, #tpu.memory_space<vmem>>, vector<1x16xf32>,
      %swap3A_714 = vector.shape_cast %swap3A_713 : vector<1x16xf32> to vector<16xf32>
      %swap3A_715 = vector.shape_cast %broadcast_in_dim3A_14 : vector<16xf32> to vector<1x16xf32>
      tpu.vector_store %arg9[%swap3A_711, %swap3A_712], %swap3A_715 {strides = array<i32>} : memref<16x128xf32, #tpu.memory_space<vmem>>, vector<1x16xf32>,
      %swap3A_716 = arith.constant 14 : i32
      %swap3A_717 = arith.index_cast %swap3A_716 : i32 to index
      %swap3A_718 = arith.constant 80 : index
      %swap3A_719 = tpu.vector_load %arg9[%swap3A_717, %swap3A_718] {strides = array<i32>} : memref<16x128xf32, #tpu.memory_space<vmem>>, vector<1x16xf32>,
      %swap3A_720 = vector.shape_cast %swap3A_719 : vector<1x16xf32> to vector<16xf32>
      %swap3A_721 = vector.shape_cast %broadcast_in_dim3A_14 : vector<16xf32> to vector<1x16xf32>
      tpu.vector_store %arg9[%swap3A_717, %swap3A_718], %swap3A_721 {strides = array<i32>} : memref<16x128xf32, #tpu.memory_space<vmem>>, vector<1x16xf32>,
      %swap3A_722 = arith.constant 14 : i32
      %swap3A_723 = arith.index_cast %swap3A_722 : i32 to index
      %swap3A_724 = arith.constant 96 : index
      %swap3A_725 = tpu.vector_load %arg9[%swap3A_723, %swap3A_724] {strides = array<i32>} : memref<16x128xf32, #tpu.memory_space<vmem>>, vector<1x16xf32>,
      %swap3A_726 = vector.shape_cast %swap3A_725 : vector<1x16xf32> to vector<16xf32>
      %swap3A_727 = vector.shape_cast %broadcast_in_dim3A_14 : vector<16xf32> to vector<1x16xf32>
      tpu.vector_store %arg9[%swap3A_723, %swap3A_724], %swap3A_727 {strides = array<i32>} : memref<16x128xf32, #tpu.memory_space<vmem>>, vector<1x16xf32>,
      %swap3A_728 = arith.constant 14 : i32
      %swap3A_729 = arith.index_cast %swap3A_728 : i32 to index
      %swap3A_730 = arith.constant 112 : index
      %swap3A_731 = tpu.vector_load %arg9[%swap3A_729, %swap3A_730] {strides = array<i32>} : memref<16x128xf32, #tpu.memory_space<vmem>>, vector<1x16xf32>,
      %swap3A_732 = vector.shape_cast %swap3A_731 : vector<1x16xf32> to vector<16xf32>
      %swap3A_733 = vector.shape_cast %broadcast_in_dim3A_14 : vector<16xf32> to vector<1x16xf32>
      tpu.vector_store %arg9[%swap3A_729, %swap3A_730], %swap3A_733 {strides = array<i32>} : memref<16x128xf32, #tpu.memory_space<vmem>>, vector<1x16xf32>,
      %swap3A_734 = arith.constant 15 : i32
      %swap3A_735 = arith.index_cast %swap3A_734 : i32 to index
      %swap3A_736 = arith.constant 0 : index
      %swap3A_737 = tpu.vector_load %arg9[%swap3A_735, %swap3A_736] {strides = array<i32>} : memref<16x128xf32, #tpu.memory_space<vmem>>, vector<1x16xf32>,
      %swap3A_738 = vector.shape_cast %swap3A_737 : vector<1x16xf32> to vector<16xf32>
      %swap3A_739 = vector.shape_cast %broadcast_in_dim3A_14 : vector<16xf32> to vector<1x16xf32>
      tpu.vector_store %arg9[%swap3A_735, %swap3A_736], %swap3A_739 {strides = array<i32>} : memref<16x128xf32, #tpu.memory_space<vmem>>, vector<1x16xf32>,
      %swap3A_740 = arith.constant 15 : i32
      %swap3A_741 = arith.index_cast %swap3A_740 : i32 to index
      %swap3A_742 = arith.constant 16 : index
      %swap3A_743 = tpu.vector_load %arg9[%swap3A_741, %swap3A_742] {strides = array<i32>} : memref<16x128xf32, #tpu.memory_space<vmem>>, vector<1x16xf32>,
      %swap3A_744 = vector.shape_cast %swap3A_743 : vector<1x16xf32> to vector<16xf32>
      %swap3A_745 = vector.shape_cast %broadcast_in_dim3A_14 : vector<16xf32> to vector<1x16xf32>
      tpu.vector_store %arg9[%swap3A_741, %swap3A_742], %swap3A_745 {strides = array<i32>} : memref<16x128xf32, #tpu.memory_space<vmem>>, vector<1x16xf32>,
      %swap3A_746 = arith.constant 15 : i32
      %swap3A_747 = arith.index_cast %swap3A_746 : i32 to index
      %swap3A_748 = arith.constant 32 : index
      %swap3A_749 = tpu.vector_load %arg9[%swap3A_747, %swap3A_748] {strides = array<i32>} : memref<16x128xf32, #tpu.memory_space<vmem>>, vector<1x16xf32>,
      %swap3A_750 = vector.shape_cast %swap3A_749 : vector<1x16xf32> to vector<16xf32>
      %swap3A_751 = vector.shape_cast %broadcast_in_dim3A_14 : vector<16xf32> to vector<1x16xf32>
      tpu.vector_store %arg9[%swap3A_747, %swap3A_748], %swap3A_751 {strides = array<i32>} : memref<16x128xf32, #tpu.memory_space<vmem>>, vector<1x16xf32>,
      %swap3A_752 = arith.constant 15 : i32
      %swap3A_753 = arith.index_cast %swap3A_752 : i32 to index
      %swap3A_754 = arith.constant 48 : index
      %swap3A_755 = tpu.vector_load %arg9[%swap3A_753, %swap3A_754] {strides = array<i32>} : memref<16x128xf32, #tpu.memory_space<vmem>>, vector<1x16xf32>,
      %swap3A_756 = vector.shape_cast %swap3A_755 : vector<1x16xf32> to vector<16xf32>
      %swap3A_757 = vector.shape_cast %broadcast_in_dim3A_14 : vector<16xf32> to vector<1x16xf32>
      tpu.vector_store %arg9[%swap3A_753, %swap3A_754], %swap3A_757 {strides = array<i32>} : memref<16x128xf32, #tpu.memory_space<vmem>>, vector<1x16xf32>,
      %swap3A_758 = arith.constant 15 : i32
      %swap3A_759 = arith.index_cast %swap3A_758 : i32 to index
      %swap3A_760 = arith.constant 64 : index
      %swap3A_761 = tpu.vector_load %arg9[%swap3A_759, %swap3A_760] {strides = array<i32>} : memref<16x128xf32, #tpu.memory_space<vmem>>, vector<1x16xf32>,
      %swap3A_762 = vector.shape_cast %swap3A_761 : vector<1x16xf32> to vector<16xf32>
      %swap3A_763 = vector.shape_cast %broadcast_in_dim3A_14 : vector<16xf32> to vector<1x16xf32>
      tpu.vector_store %arg9[%swap3A_759, %swap3A_760], %swap3A_763 {strides = array<i32>} : memref<16x128xf32, #tpu.memory_space<vmem>>, vector<1x16xf32>,
      %swap3A_764 = arith.constant 15 : i32
      %swap3A_765 = arith.index_cast %swap3A_764 : i32 to index
      %swap3A_766 = arith.constant 80 : index
      %swap3A_767 = tpu.vector_load %arg9[%swap3A_765, %swap3A_766] {strides = array<i32>} : memref<16x128xf32, #tpu.memory_space<vmem>>, vector<1x16xf32>,
      %swap3A_768 = vector.shape_cast %swap3A_767 : vector<1x16xf32> to vector<16xf32>
      %swap3A_769 = vector.shape_cast %broadcast_in_dim3A_14 : vector<16xf32> to vector<1x16xf32>
      tpu.vector_store %arg9[%swap3A_765, %swap3A_766], %swap3A_769 {strides = array<i32>} : memref<16x128xf32, #tpu.memory_space<vmem>>, vector<1x16xf32>,
      %swap3A_770 = arith.constant 15 : i32
      %swap3A_771 = arith.index_cast %swap3A_770 : i32 to index
      %swap3A_772 = arith.constant 96 : index
      %swap3A_773 = tpu.vector_load %arg9[%swap3A_771, %swap3A_772] {strides = array<i32>} : memref<16x128xf32, #tpu.memory_space<vmem>>, vector<1x16xf32>,
      %swap3A_774 = vector.shape_cast %swap3A_773 : vector<1x16xf32> to vector<16xf32>
      %swap3A_775 = vector.shape_cast %broadcast_in_dim3A_14 : vector<16xf32> to vector<1x16xf32>
      tpu.vector_store %arg9[%swap3A_771, %swap3A_772], %swap3A_775 {strides = array<i32>} : memref<16x128xf32, #tpu.memory_space<vmem>>, vector<1x16xf32>,
      %swap3A_776 = arith.constant 15 : i32
      %swap3A_777 = arith.index_cast %swap3A_776 : i32 to index
      %swap3A_778 = arith.constant 112 : index
      %swap3A_779 = tpu.vector_load %arg9[%swap3A_777, %swap3A_778] {strides = array<i32>} : memref<16x128xf32, #tpu.memory_space<vmem>>, vector<1x16xf32>,
      %swap3A_780 = vector.shape_cast %swap3A_779 : vector<1x16xf32> to vector<16xf32>
      %swap3A_781 = vector.shape_cast %broadcast_in_dim3A_14 : vector<16xf32> to vector<1x16xf32>
      tpu.vector_store %arg9[%swap3A_777, %swap3A_778], %swap3A_781 {strides = array<i32>} : memref<16x128xf32, #tpu.memory_space<vmem>>, vector<1x16xf32>,
      "tpu.region"() ({
        %run_scoped3A = tpu.sem_alloc : memref<!tpu.dma_semaphore, #tpu.memory_space<semaphore_mem>>
        tpu.enqueue_dma source(%arg9 : memref<16x128xf32, #tpu.memory_space<vmem>>) target(%arg10 : memref<16x128xf32, #tpu.memory_space<vmem_shared>>) target_semaphore(%run_scoped3A : memref<!tpu.dma_semaphore, #tpu.memory_space<semaphore_mem>>)
        tpu.wait_dma2 semaphore(%run_scoped3A : memref<!tpu.dma_semaphore, #tpu.memory_space<semaphore_mem>>) src(%arg9 : memref<16x128xf32, #tpu.memory_space<vmem>>) dst(%arg10 : memref<16x128xf32, #tpu.memory_space<vmem_shared>>)
        tpu.yield
      }) : () -> ()
      "tpu.region"() ({
        %run_scoped3A = tpu.sem_alloc : memref<!tpu.dma_semaphore, #tpu.memory_space<semaphore_mem>>
        tpu.enqueue_dma source(%arg9 : memref<16x128xf32, #tpu.memory_space<vmem>>) target(%arg11 : memref<16x128xf32, #tpu.memory_space<vmem_shared>>) target_semaphore(%run_scoped3A : memref<!tpu.dma_semaphore, #tpu.memory_space<semaphore_mem>>)
        tpu.wait_dma2 semaphore(%run_scoped3A : memref<!tpu.dma_semaphore, #tpu.memory_space<semaphore_mem>>) src(%arg9 : memref<16x128xf32, #tpu.memory_space<vmem>>) dst(%arg11 : memref<16x128xf32, #tpu.memory_space<vmem_shared>>)
        tpu.yield
      }) : () -> ()
    } else {
    }
    %barrier3A = arith.constant 0 : index
    tpu.barrier barrier_id(%barrier3A)
    %scan3A = arith.constant 0 : i32
    %scan3A_3 = arith.constant 0 : i32
    %scan3A_4 = arith.constant 40 : i32
    %scan3A_5 = arith.addi %scan3A_3, %scan3A_4 : i32
    %scan3A_6 = arith.constant 1 : i32
    scf.for %scan3A_14 = %scan3A_3 to %scan3A_5 step %scan3A_6  : i32 {
      %mul3A_15 = arith.constant 32 : i32
      %mul3A_16 = arith.muli %scan3A_14, %mul3A_15 : i32
      %add3A_17 = arith.addi %mul3A_16, %add3A : i32
      %lt3A = arith.constant 1250 : i32
      %lt3A_18 = arith.cmpi slt, %add3A_17, %lt3A : i32
      %convert_element_type3A_19 = arith.extui %lt3A_18 : i1 to i32
      %cond3A_20 = arith.constant 0 : i32
      %cond3A_21 = arith.cmpi ne, %convert_element_type3A_19, %cond3A_20 : i32
      scf.if %cond3A_21 {
        %mul3A_22 = arith.constant 80 : i32
        %mul3A_23 = arith.muli %add3A_17, %mul3A_22 : i32
        "tpu.region"() ({
          %run_scoped3A = tpu.sem_alloc : memref<!tpu.dma_semaphore, #tpu.memory_space<semaphore_mem>>
          %dma_start3A = tpu.memref_slice %arg3[%mul3A_23] : memref<100000xi32, #tpu.memory_space<hbm>> -> memref<80xi32, #tpu.memory_space<hbm>>
          %dma_start3A_30 = tpu.memref_slice %arg3[%mul3A_23] : memref<100000xi32, #tpu.memory_space<hbm>> -> memref<80xi32, #tpu.memory_space<hbm>>
          tpu.enqueue_dma source(%dma_start3A_30 : memref<80xi32, #tpu.memory_space<hbm>>) target(%arg8 : memref<80xi32, #tpu.memory_space<vmem>>) target_semaphore(%run_scoped3A : memref<!tpu.dma_semaphore, #tpu.memory_space<semaphore_mem>>)
          %dma_wait3A = tpu.memref_slice %arg3[%mul3A_23] : memref<100000xi32, #tpu.memory_space<hbm>> -> memref<80xi32, #tpu.memory_space<hbm>>
          %dma_wait3A_31 = tpu.memref_slice %arg3[%mul3A_23] : memref<100000xi32, #tpu.memory_space<hbm>> -> memref<80xi32, #tpu.memory_space<hbm>>
          tpu.wait_dma2 semaphore(%run_scoped3A : memref<!tpu.dma_semaphore, #tpu.memory_space<semaphore_mem>>) src(%dma_wait3A_31 : memref<80xi32, #tpu.memory_space<hbm>>) dst(%arg8 : memref<80xi32, #tpu.memory_space<vmem>>)
          tpu.yield
        }) : () -> ()
        "tpu.region"() ({
          %run_scoped3A = tpu.sem_alloc : memref<!tpu.dma_semaphore, #tpu.memory_space<semaphore_mem>>
          %dma_start3A = arith.constant 0 : i32
          %dma_start3A_30 = tpu.memref_slice %arg2[%mul3A_23, %dma_start3A] : memref<100000x128xf32, #tpu.memory_space<hbm>> -> memref<80x128xf32, #tpu.memory_space<hbm>>
          %dma_start3A_31 = arith.constant 0 : i32
          %dma_start3A_32 = tpu.memref_slice %arg2[%mul3A_23, %dma_start3A_31] : memref<100000x128xf32, #tpu.memory_space<hbm>> -> memref<80x128xf32, #tpu.memory_space<hbm>>
          tpu.enqueue_dma source(%dma_start3A_32 : memref<80x128xf32, #tpu.memory_space<hbm>>) target(%arg6 : memref<80x128xf32, #tpu.memory_space<vmem>>) target_semaphore(%run_scoped3A : memref<!tpu.dma_semaphore, #tpu.memory_space<semaphore_mem>>)
          %dma_wait3A = arith.constant 0 : i32
          %dma_wait3A_33 = tpu.memref_slice %arg2[%mul3A_23, %dma_wait3A] : memref<100000x128xf32, #tpu.memory_space<hbm>> -> memref<80x128xf32, #tpu.memory_space<hbm>>
          %dma_wait3A_34 = arith.constant 0 : i32
          %dma_wait3A_35 = tpu.memref_slice %arg2[%mul3A_23, %dma_wait3A_34] : memref<100000x128xf32, #tpu.memory_space<hbm>> -> memref<80x128xf32, #tpu.memory_space<hbm>>
          tpu.wait_dma2 semaphore(%run_scoped3A : memref<!tpu.dma_semaphore, #tpu.memory_space<semaphore_mem>>) src(%dma_wait3A_35 : memref<80x128xf32, #tpu.memory_space<hbm>>) dst(%arg6 : memref<80x128xf32, #tpu.memory_space<vmem>>)
          tpu.yield
        }) : () -> ()
        "tpu.region"() ({
          %run_scoped3A = tpu.sem_alloc : memref<!tpu.dma_semaphore, #tpu.memory_space<semaphore_mem>>
          %dma_start3A = arith.constant 0 : i32
          %dma_start3A_30 = arith.constant 0 : i32
          %dma_start3A_31 = tpu.memref_slice %arg10[%dma_start3A, %dma_start3A_30] : memref<16x128xf32, #tpu.memory_space<vmem_shared>> -> memref<16x128xf32, #tpu.memory_space<vmem_shared>>
          tpu.enqueue_indirect_dma source(%arg6 : memref<80x128xf32, #tpu.memory_space<vmem>>) target(%dma_start3A_31 : memref<16x128xf32, #tpu.memory_space<vmem_shared>>) offsets(%arg8 : memref<80xi32, #tpu.memory_space<vmem>>) semaphore(%run_scoped3A : memref<!tpu.dma_semaphore, #tpu.memory_space<semaphore_mem>>) {add = true}
          %dma_wait3A = arith.constant 0 : i32
          %dma_wait3A_32 = arith.constant 0 : i32
          %dma_wait3A_33 = tpu.memref_slice %arg10[%dma_wait3A, %dma_wait3A_32] : memref<16x128xf32, #tpu.memory_space<vmem_shared>> -> memref<16x128xf32, #tpu.memory_space<vmem_shared>>
          tpu.wait_indirect_dma semaphore(%run_scoped3A : memref<!tpu.dma_semaphore, #tpu.memory_space<semaphore_mem>>) src(%arg6 : memref<80x128xf32, #tpu.memory_space<vmem>>) dst(%dma_wait3A_33 : memref<16x128xf32, #tpu.memory_space<vmem_shared>>)
          tpu.yield
        }) : () -> ()
        %scan3A_24 = arith.constant 0 : i32
        %scan3A_25 = arith.constant 0 : i32
        %scan3A_26 = arith.constant 80 : i32
        %scan3A_27 = arith.addi %scan3A_25, %scan3A_26 : i32
        %scan3A_28 = arith.constant 1 : i32
        scf.for %scan3A_30 = %scan3A_25 to %scan3A_27 step %scan3A_28  : i32 {
          %get3A = arith.index_cast %scan3A_30 : i32 to index
          %get3A_31 = arith.constant 0 : index
          %get3A_32 = tpu.vector_load %arg6[%get3A, %get3A_31] {strides = array<i32>} : memref<80x128xf32, #tpu.memory_space<vmem>>, vector<1x16xf32>,
          %get3A_33 = vector.shape_cast %get3A_32 : vector<1x16xf32> to vector<16xf32>
          %mul3A_34 = arith.mulf %get3A_33, %get3A_33 : vector<16xf32>
          %swap3A = arith.index_cast %scan3A_30 : i32 to index
          %swap3A_35 = arith.constant 0 : index
          %swap3A_36 = tpu.vector_load %arg7[%swap3A, %swap3A_35] {strides = array<i32>} : memref<80x128xf32, #tpu.memory_space<vmem>>, vector<1x16xf32>,
          %swap3A_37 = vector.shape_cast %swap3A_36 : vector<1x16xf32> to vector<16xf32>
          %swap3A_38 = vector.shape_cast %mul3A_34 : vector<16xf32> to vector<1x16xf32>
          tpu.vector_store %arg7[%swap3A, %swap3A_35], %swap3A_38 {strides = array<i32>} : memref<80x128xf32, #tpu.memory_space<vmem>>, vector<1x16xf32>,
          %get3A_39 = arith.index_cast %scan3A_30 : i32 to index
          %get3A_40 = arith.constant 16 : index
          %get3A_41 = tpu.vector_load %arg6[%get3A_39, %get3A_40] {strides = array<i32>} : memref<80x128xf32, #tpu.memory_space<vmem>>, vector<1x16xf32>,
          %get3A_42 = vector.shape_cast %get3A_41 : vector<1x16xf32> to vector<16xf32>
          %mul3A_43 = arith.mulf %get3A_42, %get3A_42 : vector<16xf32>
          %swap3A_44 = arith.index_cast %scan3A_30 : i32 to index
          %swap3A_45 = arith.constant 16 : index
          %swap3A_46 = tpu.vector_load %arg7[%swap3A_44, %swap3A_45] {strides = array<i32>} : memref<80x128xf32, #tpu.memory_space<vmem>>, vector<1x16xf32>,
          %swap3A_47 = vector.shape_cast %swap3A_46 : vector<1x16xf32> to vector<16xf32>
          %swap3A_48 = vector.shape_cast %mul3A_43 : vector<16xf32> to vector<1x16xf32>
          tpu.vector_store %arg7[%swap3A_44, %swap3A_45], %swap3A_48 {strides = array<i32>} : memref<80x128xf32, #tpu.memory_space<vmem>>, vector<1x16xf32>,
          %get3A_49 = arith.index_cast %scan3A_30 : i32 to index
          %get3A_50 = arith.constant 32 : index
          %get3A_51 = tpu.vector_load %arg6[%get3A_49, %get3A_50] {strides = array<i32>} : memref<80x128xf32, #tpu.memory_space<vmem>>, vector<1x16xf32>,
          %get3A_52 = vector.shape_cast %get3A_51 : vector<1x16xf32> to vector<16xf32>
          %mul3A_53 = arith.mulf %get3A_52, %get3A_52 : vector<16xf32>
          %swap3A_54 = arith.index_cast %scan3A_30 : i32 to index
          %swap3A_55 = arith.constant 32 : index
          %swap3A_56 = tpu.vector_load %arg7[%swap3A_54, %swap3A_55] {strides = array<i32>} : memref<80x128xf32, #tpu.memory_space<vmem>>, vector<1x16xf32>,
          %swap3A_57 = vector.shape_cast %swap3A_56 : vector<1x16xf32> to vector<16xf32>
          %swap3A_58 = vector.shape_cast %mul3A_53 : vector<16xf32> to vector<1x16xf32>
          tpu.vector_store %arg7[%swap3A_54, %swap3A_55], %swap3A_58 {strides = array<i32>} : memref<80x128xf32, #tpu.memory_space<vmem>>, vector<1x16xf32>,
          %get3A_59 = arith.index_cast %scan3A_30 : i32 to index
          %get3A_60 = arith.constant 48 : index
          %get3A_61 = tpu.vector_load %arg6[%get3A_59, %get3A_60] {strides = array<i32>} : memref<80x128xf32, #tpu.memory_space<vmem>>, vector<1x16xf32>,
          %get3A_62 = vector.shape_cast %get3A_61 : vector<1x16xf32> to vector<16xf32>
          %mul3A_63 = arith.mulf %get3A_62, %get3A_62 : vector<16xf32>
          %swap3A_64 = arith.index_cast %scan3A_30 : i32 to index
          %swap3A_65 = arith.constant 48 : index
          %swap3A_66 = tpu.vector_load %arg7[%swap3A_64, %swap3A_65] {strides = array<i32>} : memref<80x128xf32, #tpu.memory_space<vmem>>, vector<1x16xf32>,
          %swap3A_67 = vector.shape_cast %swap3A_66 : vector<1x16xf32> to vector<16xf32>
          %swap3A_68 = vector.shape_cast %mul3A_63 : vector<16xf32> to vector<1x16xf32>
          tpu.vector_store %arg7[%swap3A_64, %swap3A_65], %swap3A_68 {strides = array<i32>} : memref<80x128xf32, #tpu.memory_space<vmem>>, vector<1x16xf32>,
          %get3A_69 = arith.index_cast %scan3A_30 : i32 to index
          %get3A_70 = arith.constant 64 : index
          %get3A_71 = tpu.vector_load %arg6[%get3A_69, %get3A_70] {strides = array<i32>} : memref<80x128xf32, #tpu.memory_space<vmem>>, vector<1x16xf32>,
          %get3A_72 = vector.shape_cast %get3A_71 : vector<1x16xf32> to vector<16xf32>
          %mul3A_73 = arith.mulf %get3A_72, %get3A_72 : vector<16xf32>
          %swap3A_74 = arith.index_cast %scan3A_30 : i32 to index
          %swap3A_75 = arith.constant 64 : index
          %swap3A_76 = tpu.vector_load %arg7[%swap3A_74, %swap3A_75] {strides = array<i32>} : memref<80x128xf32, #tpu.memory_space<vmem>>, vector<1x16xf32>,
          %swap3A_77 = vector.shape_cast %swap3A_76 : vector<1x16xf32> to vector<16xf32>
          %swap3A_78 = vector.shape_cast %mul3A_73 : vector<16xf32> to vector<1x16xf32>
          tpu.vector_store %arg7[%swap3A_74, %swap3A_75], %swap3A_78 {strides = array<i32>} : memref<80x128xf32, #tpu.memory_space<vmem>>, vector<1x16xf32>,
          %get3A_79 = arith.index_cast %scan3A_30 : i32 to index
          %get3A_80 = arith.constant 80 : index
          %get3A_81 = tpu.vector_load %arg6[%get3A_79, %get3A_80] {strides = array<i32>} : memref<80x128xf32, #tpu.memory_space<vmem>>, vector<1x16xf32>,
          %get3A_82 = vector.shape_cast %get3A_81 : vector<1x16xf32> to vector<16xf32>
          %mul3A_83 = arith.mulf %get3A_82, %get3A_82 : vector<16xf32>
          %swap3A_84 = arith.index_cast %scan3A_30 : i32 to index
          %swap3A_85 = arith.constant 80 : index
          %swap3A_86 = tpu.vector_load %arg7[%swap3A_84, %swap3A_85] {strides = array<i32>} : memref<80x128xf32, #tpu.memory_space<vmem>>, vector<1x16xf32>,
          %swap3A_87 = vector.shape_cast %swap3A_86 : vector<1x16xf32> to vector<16xf32>
          %swap3A_88 = vector.shape_cast %mul3A_83 : vector<16xf32> to vector<1x16xf32>
          tpu.vector_store %arg7[%swap3A_84, %swap3A_85], %swap3A_88 {strides = array<i32>} : memref<80x128xf32, #tpu.memory_space<vmem>>, vector<1x16xf32>,
          %get3A_89 = arith.index_cast %scan3A_30 : i32 to index
          %get3A_90 = arith.constant 96 : index
          %get3A_91 = tpu.vector_load %arg6[%get3A_89, %get3A_90] {strides = array<i32>} : memref<80x128xf32, #tpu.memory_space<vmem>>, vector<1x16xf32>,
          %get3A_92 = vector.shape_cast %get3A_91 : vector<1x16xf32> to vector<16xf32>
          %mul3A_93 = arith.mulf %get3A_92, %get3A_92 : vector<16xf32>
          %swap3A_94 = arith.index_cast %scan3A_30 : i32 to index
          %swap3A_95 = arith.constant 96 : index
          %swap3A_96 = tpu.vector_load %arg7[%swap3A_94, %swap3A_95] {strides = array<i32>} : memref<80x128xf32, #tpu.memory_space<vmem>>, vector<1x16xf32>,
          %swap3A_97 = vector.shape_cast %swap3A_96 : vector<1x16xf32> to vector<16xf32>
          %swap3A_98 = vector.shape_cast %mul3A_93 : vector<16xf32> to vector<1x16xf32>
          tpu.vector_store %arg7[%swap3A_94, %swap3A_95], %swap3A_98 {strides = array<i32>} : memref<80x128xf32, #tpu.memory_space<vmem>>, vector<1x16xf32>,
          %get3A_99 = arith.index_cast %scan3A_30 : i32 to index
          %get3A_100 = arith.constant 112 : index
          %get3A_101 = tpu.vector_load %arg6[%get3A_99, %get3A_100] {strides = array<i32>} : memref<80x128xf32, #tpu.memory_space<vmem>>, vector<1x16xf32>,
          %get3A_102 = vector.shape_cast %get3A_101 : vector<1x16xf32> to vector<16xf32>
          %mul3A_103 = arith.mulf %get3A_102, %get3A_102 : vector<16xf32>
          %swap3A_104 = arith.index_cast %scan3A_30 : i32 to index
          %swap3A_105 = arith.constant 112 : index
          %swap3A_106 = tpu.vector_load %arg7[%swap3A_104, %swap3A_105] {strides = array<i32>} : memref<80x128xf32, #tpu.memory_space<vmem>>, vector<1x16xf32>,
          %swap3A_107 = vector.shape_cast %swap3A_106 : vector<1x16xf32> to vector<16xf32>
          %swap3A_108 = vector.shape_cast %mul3A_103 : vector<16xf32> to vector<1x16xf32>
          tpu.vector_store %arg7[%swap3A_104, %swap3A_105], %swap3A_108 {strides = array<i32>} : memref<80x128xf32, #tpu.memory_space<vmem>>, vector<1x16xf32>,
        }
        %scan3A_29 = arith.constant 80 : i32
        "tpu.region"() ({
          %run_scoped3A = tpu.sem_alloc : memref<!tpu.dma_semaphore, #tpu.memory_space<semaphore_mem>>
          %dma_start3A = arith.constant 0 : i32
          %dma_start3A_30 = arith.constant 0 : i32
          %dma_start3A_31 = tpu.memref_slice %arg11[%dma_start3A, %dma_start3A_30] : memref<16x128xf32, #tpu.memory_space<vmem_shared>> -> memref<16x128xf32, #tpu.memory_space<vmem_shared>>
          tpu.enqueue_indirect_dma source(%arg7 : memref<80x128xf32, #tpu.memory_space<vmem>>) target(%dma_start3A_31 : memref<16x128xf32, #tpu.memory_space<vmem_shared>>) offsets(%arg8 : memref<80xi32, #tpu.memory_space<vmem>>) semaphore(%run_scoped3A : memref<!tpu.dma_semaphore, #tpu.memory_space<semaphore_mem>>) {add = true}
          %dma_wait3A = arith.constant 0 : i32
          %dma_wait3A_32 = arith.constant 0 : i32
          %dma_wait3A_33 = tpu.memref_slice %arg11[%dma_wait3A, %dma_wait3A_32] : memref<16x128xf32, #tpu.memory_space<vmem_shared>> -> memref<16x128xf32, #tpu.memory_space<vmem_shared>>
          tpu.wait_indirect_dma semaphore(%run_scoped3A : memref<!tpu.dma_semaphore, #tpu.memory_space<semaphore_mem>>) src(%arg7 : memref<80x128xf32, #tpu.memory_space<vmem>>) dst(%dma_wait3A_33 : memref<16x128xf32, #tpu.memory_space<vmem_shared>>)
          tpu.yield
        }) : () -> ()
      } else {
      }
    }
    %scan3A_7 = arith.constant 40 : i32
    %barrier3A_8 = arith.constant 0 : index
    tpu.barrier barrier_id(%barrier3A_8)
    %eq3A_9 = arith.constant 0 : i32
    %eq3A_10 = arith.cmpi eq, %arg1, %eq3A_9 : i32
    %convert_element_type3A_11 = arith.extui %eq3A_10 : i1 to i32
    %cond3A_12 = arith.constant 0 : i32
    %cond3A_13 = arith.cmpi ne, %convert_element_type3A_11, %cond3A_12 : i32
    scf.if %cond3A_13 {
      "tpu.region"() ({
        %run_scoped3A = tpu.sem_alloc : memref<!tpu.dma_semaphore, #tpu.memory_space<semaphore_mem>>
        %dma_start3A = arith.constant 0 : i32
        %dma_start3A_14 = arith.constant 0 : i32
        %dma_start3A_15 = tpu.memref_slice %arg4[%arg0, %dma_start3A, %dma_start3A_14] : memref<2x16x128xf32, #tpu.memory_space<hbm>> -> memref<1x16x128xf32, #tpu.memory_space<hbm>>
        %dma_start3A_16 = tpu.memref_squeeze %dma_start3A_15 : memref<1x16x128xf32, #tpu.memory_space<hbm>> -> memref<16x128xf32, #tpu.memory_space<hbm>>
        tpu.enqueue_dma source(%arg10 : memref<16x128xf32, #tpu.memory_space<vmem_shared>>) target(%dma_start3A_16 : memref<16x128xf32, #tpu.memory_space<hbm>>) target_semaphore(%run_scoped3A : memref<!tpu.dma_semaphore, #tpu.memory_space<semaphore_mem>>)
        %dma_wait3A = arith.constant 0 : i32
        %dma_wait3A_17 = arith.constant 0 : i32
        %dma_wait3A_18 = tpu.memref_slice %arg4[%arg0, %dma_wait3A, %dma_wait3A_17] : memref<2x16x128xf32, #tpu.memory_space<hbm>> -> memref<1x16x128xf32, #tpu.memory_space<hbm>>
        %dma_wait3A_19 = tpu.memref_squeeze %dma_wait3A_18 : memref<1x16x128xf32, #tpu.memory_space<hbm>> -> memref<16x128xf32, #tpu.memory_space<hbm>>
        tpu.wait_dma2 semaphore(%run_scoped3A : memref<!tpu.dma_semaphore, #tpu.memory_space<semaphore_mem>>) src(%arg10 : memref<16x128xf32, #tpu.memory_space<vmem_shared>>) dst(%dma_wait3A_19 : memref<16x128xf32, #tpu.memory_space<hbm>>)
        tpu.yield
      }) : () -> ()
      "tpu.region"() ({
        %run_scoped3A = tpu.sem_alloc : memref<!tpu.dma_semaphore, #tpu.memory_space<semaphore_mem>>
        %dma_start3A = arith.constant 0 : i32
        %dma_start3A_14 = arith.constant 0 : i32
        %dma_start3A_15 = tpu.memref_slice %arg5[%arg0, %dma_start3A, %dma_start3A_14] : memref<2x16x128xf32, #tpu.memory_space<hbm>> -> memref<1x16x128xf32, #tpu.memory_space<hbm>>
        %dma_start3A_16 = tpu.memref_squeeze %dma_start3A_15 : memref<1x16x128xf32, #tpu.memory_space<hbm>> -> memref<16x128xf32, #tpu.memory_space<hbm>>
        tpu.enqueue_dma source(%arg11 : memref<16x128xf32, #tpu.memory_space<vmem_shared>>) target(%dma_start3A_16 : memref<16x128xf32, #tpu.memory_space<hbm>>) target_semaphore(%run_scoped3A : memref<!tpu.dma_semaphore, #tpu.memory_space<semaphore_mem>>)
        %dma_wait3A = arith.constant 0 : i32
        %dma_wait3A_17 = arith.constant 0 : i32
        %dma_wait3A_18 = tpu.memref_slice %arg5[%arg0, %dma_wait3A, %dma_wait3A_17] : memref<2x16x128xf32, #tpu.memory_space<hbm>> -> memref<1x16x128xf32, #tpu.memory_space<hbm>>
        %dma_wait3A_19 = tpu.memref_squeeze %dma_wait3A_18 : memref<1x16x128xf32, #tpu.memory_space<hbm>> -> memref<16x128xf32, #tpu.memory_space<hbm>>
        tpu.wait_dma2 semaphore(%run_scoped3A : memref<!tpu.dma_semaphore, #tpu.memory_space<semaphore_mem>>) src(%arg11 : memref<16x128xf32, #tpu.memory_space<vmem_shared>>) dst(%dma_wait3A_19 : memref<16x128xf32, #tpu.memory_space<hbm>>)
        tpu.yield
      }) : () -> ()
    } else {
    }
    return
  }
}

module attributes {stable_mosaic.version = 14 : i64} {
  func.func @_apply_body(%arg0: i32, %arg1: memref<2x16x128xf32, #tpu.memory_space<vmem>>, %arg2: memref<2x16x128xf32, #tpu.memory_space<vmem>>, %arg3: memref<16x1xf32, #tpu.memory_space<vmem>>, %arg4: memref<2000x128xf32, #tpu.memory_space<vmem>>, %arg5: memref<1x1x2000xi32, #tpu.memory_space<vmem>>, %arg6: memref<1x128xf32, #tpu.memory_space<vmem>>, %arg7: memref<1x128xf32, #tpu.memory_space<vmem>>, %arg8: memref<2000x128xf32, #tpu.memory_space<vmem>>, %arg9: memref<16x256xbf16, #tpu.memory_space<vmem>>) attributes {dimension_semantics = [#tpu.dimension_semantics<arbitrary>], iteration_bounds = array<i64: 50>, scalar_prefetch = 0 : i64, scratch_operands = 1 : i64, tpu.core_type = #tpu.core_type<tc>, window_params = [{pipeline_mode = #tpu.pipeline_mode<synchronous>, transform_indices = @transform_0, window_bounds = array<i64: 2, 16, 128>}, {pipeline_mode = #tpu.pipeline_mode<synchronous>, transform_indices = @transform_1, window_bounds = array<i64: 2, 16, 128>}, {pipeline_mode = #tpu.pipeline_mode<synchronous>, transform_indices = @transform_2, window_bounds = array<i64: 16, 1>}, {transform_indices = @transform_3, window_bounds = array<i64: 2000, 128>}, {transform_indices = @transform_4, window_bounds = array<i64: 1, 1, 2000>}, {pipeline_mode = #tpu.pipeline_mode<synchronous>, transform_indices = @transform_5, window_bounds = array<i64: 1, 128>}, {pipeline_mode = #tpu.pipeline_mode<synchronous>, transform_indices = @transform_6, window_bounds = array<i64: 1, 128>}, {transform_indices = @transform_7, window_bounds = array<i64: 2000, 128>}]} {
    %eq3A = arith.constant 0 : i32
    %eq3A_0 = arith.cmpi eq, %arg0, %eq3A : i32
    %convert_element_type3A = arith.extui %eq3A_0 : i1 to i32
    %cond3A = arith.constant 0 : i32
    %cond3A_1 = arith.cmpi ne, %convert_element_type3A, %cond3A : i32
    scf.if %cond3A_1 {
      %get3A_21 = arith.constant 0 : index
      %get3A_22 = arith.constant 0 : index
      %get3A_23 = arith.constant 0 : index
      %get3A_24 = vector.load %arg1[%get3A_21, %get3A_22, %get3A_23] : memref<2x16x128xf32, #tpu.memory_space<vmem>>, vector<1x16x128xf32>
      %get3A_25 = vector.shape_cast %get3A_24 : vector<1x16x128xf32> to vector<16x128xf32>
      %get3A_26 = arith.constant 1 : index
      %get3A_27 = arith.constant 0 : index
      %get3A_28 = arith.constant 0 : index
      %get3A_29 = vector.load %arg1[%get3A_26, %get3A_27, %get3A_28] : memref<2x16x128xf32, #tpu.memory_space<vmem>>, vector<1x16x128xf32>
      %get3A_30 = vector.shape_cast %get3A_29 : vector<1x16x128xf32> to vector<16x128xf32>
      %add3A_31 = arith.addf %get3A_25, %get3A_30 : vector<16x128xf32>
      %get3A_32 = arith.constant 0 : index
      %get3A_33 = arith.constant 0 : index
      %get3A_34 = arith.constant 0 : index
      %get3A_35 = vector.load %arg2[%get3A_32, %get3A_33, %get3A_34] : memref<2x16x128xf32, #tpu.memory_space<vmem>>, vector<1x16x128xf32>
      %get3A_36 = vector.shape_cast %get3A_35 : vector<1x16x128xf32> to vector<16x128xf32>
      %get3A_37 = arith.constant 1 : index
      %get3A_38 = arith.constant 0 : index
      %get3A_39 = arith.constant 0 : index
      %get3A_40 = vector.load %arg2[%get3A_37, %get3A_38, %get3A_39] : memref<2x16x128xf32, #tpu.memory_space<vmem>>, vector<1x16x128xf32>
      %get3A_41 = vector.shape_cast %get3A_40 : vector<1x16x128xf32> to vector<16x128xf32>
      %add3A_42 = arith.addf %get3A_36, %get3A_41 : vector<16x128xf32>
      %get3A_43 = arith.constant 0 : index
      %get3A_44 = arith.constant 0 : index
      %get3A_45 = vector.load %arg3[%get3A_43, %get3A_44] : memref<16x1xf32, #tpu.memory_space<vmem>>, vector<16x1xf32>
      %mul3A_46 = arith.constant 4.000000e+00 : f32
      %mul3A_47 = vector.broadcast %mul3A_46 : f32 to vector<16x1xf32>
      %mul3A_48 = arith.mulf %get3A_45, %mul3A_47 : vector<16x1xf32>
      %add3A_49 = arith.constant 9.99999974E-6 : f32
      %add3A_50 = vector.broadcast %add3A_49 : f32 to vector<16x1xf32>
      %add3A_51 = arith.addf %mul3A_48, %add3A_50 : vector<16x1xf32>
      %div3A = arith.constant 1.000000e+00 : f32
      %div3A_52 = vector.broadcast %div3A : f32 to vector<16x1xf32>
      %div3A_53 = arith.divf %div3A_52, %add3A_51 : vector<16x1xf32>
      %roll3A = arith.constant 127 : i32
      %roll3A_54 = tpu.dynamic_rotate %add3A_31 by %roll3A dim 1 : vector<16x128xf32>, i32 -> vector<16x128xf32>
      %add3A_55 = arith.addf %add3A_31, %roll3A_54 : vector<16x128xf32>
      %roll3A_56 = arith.constant 126 : i32
      %roll3A_57 = tpu.dynamic_rotate %add3A_31 by %roll3A_56 dim 1 : vector<16x128xf32>, i32 -> vector<16x128xf32>
      %add3A_58 = arith.addf %add3A_55, %roll3A_57 : vector<16x128xf32>
      %roll3A_59 = arith.constant 125 : i32
      %roll3A_60 = tpu.dynamic_rotate %add3A_31 by %roll3A_59 dim 1 : vector<16x128xf32>, i32 -> vector<16x128xf32>
      %add3A_61 = arith.addf %add3A_58, %roll3A_60 : vector<16x128xf32>
      %iota3A_62 = tpu.iota {dimensions = array<i32: 1>} : vector<16x128xi32>
      %jit3A = arith.constant 4 : i32
      %eq3A_63 = arith.constant 0 : i32
      %eq3A_64 = arith.cmpi eq, %jit3A, %eq3A_63 : i32
      %jit3A_65 = arith.constant 1 : i32
      %select_n3A = arith.select %eq3A_64, %jit3A_65, %jit3A : i32
      %rem3A = vector.broadcast %select_n3A : i32 to vector<16x128xi32>
      %rem3A_66 = arith.remsi %iota3A_62, %rem3A : vector<16x128xi32>
      %ne3A = arith.constant 0 : i32
      %ne3A_67 = vector.broadcast %ne3A : i32 to vector<16x128xi32>
      %ne3A_68 = arith.cmpi ne, %rem3A_66, %ne3A_67 : vector<16x128xi32>
      %lt3A = arith.constant 0 : i32
      %lt3A_69 = vector.broadcast %lt3A : i32 to vector<16x128xi32>
      %lt3A_70 = arith.cmpi slt, %rem3A_66, %lt3A_69 : vector<16x128xi32>
      %lt3A_71 = arith.constant 0 : i32
      %lt3A_72 = arith.cmpi slt, %select_n3A, %lt3A_71 : i32
      %ne3A_73 = vector.broadcast %lt3A_72 : i1 to vector<16x128xi1>
      %ne3A_74 = vector.broadcast %ne3A_73 : vector<16x128xi1> to vector<16x128xi1>
      %ne3A_75 = arith.xori %lt3A_70, %ne3A_74 : vector<16x128xi1>
      %and3A = arith.andi %ne3A_75, %ne3A_68 : vector<16x128xi1>
      %add3A_76 = vector.broadcast %select_n3A : i32 to vector<16x128xi32>
      %add3A_77 = arith.addi %rem3A_66, %add3A_76 : vector<16x128xi32>
      %select_n3A_78 = arith.select %and3A, %add3A_77, %rem3A_66 : vector<16x128xi1>, vector<16x128xi32>
      %eq3A_79 = arith.constant 0 : i32
      %eq3A_80 = vector.broadcast %eq3A_79 : i32 to vector<16x128xi32>
      %eq3A_81 = arith.cmpi eq, %select_n3A_78, %eq3A_80 : vector<16x128xi32>
      %jit3A_82 = arith.constant 0.000000e+00 : f32
      %broadcast_in_dim3A_83 = vector.broadcast %jit3A_82 : f32 to vector<16x128xf32>
      %select_n3A_84 = arith.select %eq3A_81, %add3A_61, %broadcast_in_dim3A_83 : vector<16x128xi1>, vector<16x128xf32>
      %roll3A_85 = arith.constant 1 : i32
      %roll3A_86 = tpu.dynamic_rotate %select_n3A_84 by %roll3A_85 dim 1 : vector<16x128xf32>, i32 -> vector<16x128xf32>
      %add3A_87 = arith.addf %select_n3A_84, %roll3A_86 : vector<16x128xf32>
      %roll3A_88 = arith.constant 2 : i32
      %roll3A_89 = tpu.dynamic_rotate %select_n3A_84 by %roll3A_88 dim 1 : vector<16x128xf32>, i32 -> vector<16x128xf32>
      %add3A_90 = arith.addf %add3A_87, %roll3A_89 : vector<16x128xf32>
      %roll3A_91 = arith.constant 3 : i32
      %roll3A_92 = tpu.dynamic_rotate %select_n3A_84 by %roll3A_91 dim 1 : vector<16x128xf32>, i32 -> vector<16x128xf32>
      %add3A_93 = arith.addf %add3A_90, %roll3A_92 : vector<16x128xf32>
      %roll3A_94 = arith.constant 127 : i32
      %roll3A_95 = tpu.dynamic_rotate %add3A_42 by %roll3A_94 dim 1 : vector<16x128xf32>, i32 -> vector<16x128xf32>
      %add3A_96 = arith.addf %add3A_42, %roll3A_95 : vector<16x128xf32>
      %roll3A_97 = arith.constant 126 : i32
      %roll3A_98 = tpu.dynamic_rotate %add3A_42 by %roll3A_97 dim 1 : vector<16x128xf32>, i32 -> vector<16x128xf32>
      %add3A_99 = arith.addf %add3A_96, %roll3A_98 : vector<16x128xf32>
      %roll3A_100 = arith.constant 125 : i32
      %roll3A_101 = tpu.dynamic_rotate %add3A_42 by %roll3A_100 dim 1 : vector<16x128xf32>, i32 -> vector<16x128xf32>
      %add3A_102 = arith.addf %add3A_99, %roll3A_101 : vector<16x128xf32>
      %iota3A_103 = tpu.iota {dimensions = array<i32: 1>} : vector<16x128xi32>
      %jit3A_104 = arith.constant 4 : i32
      %eq3A_105 = arith.constant 0 : i32
      %eq3A_106 = arith.cmpi eq, %jit3A_104, %eq3A_105 : i32
      %jit3A_107 = arith.constant 1 : i32
      %select_n3A_108 = arith.select %eq3A_106, %jit3A_107, %jit3A_104 : i32
      %rem3A_109 = vector.broadcast %select_n3A_108 : i32 to vector<16x128xi32>
      %rem3A_110 = arith.remsi %iota3A_103, %rem3A_109 : vector<16x128xi32>
      %ne3A_111 = arith.constant 0 : i32
      %ne3A_112 = vector.broadcast %ne3A_111 : i32 to vector<16x128xi32>
      %ne3A_113 = arith.cmpi ne, %rem3A_110, %ne3A_112 : vector<16x128xi32>
      %lt3A_114 = arith.constant 0 : i32
      %lt3A_115 = vector.broadcast %lt3A_114 : i32 to vector<16x128xi32>
      %lt3A_116 = arith.cmpi slt, %rem3A_110, %lt3A_115 : vector<16x128xi32>
      %lt3A_117 = arith.constant 0 : i32
      %lt3A_118 = arith.cmpi slt, %select_n3A_108, %lt3A_117 : i32
      %ne3A_119 = vector.broadcast %lt3A_118 : i1 to vector<16x128xi1>
      %ne3A_120 = vector.broadcast %ne3A_119 : vector<16x128xi1> to vector<16x128xi1>
      %ne3A_121 = arith.xori %lt3A_116, %ne3A_120 : vector<16x128xi1>
      %and3A_122 = arith.andi %ne3A_121, %ne3A_113 : vector<16x128xi1>
      %add3A_123 = vector.broadcast %select_n3A_108 : i32 to vector<16x128xi32>
      %add3A_124 = arith.addi %rem3A_110, %add3A_123 : vector<16x128xi32>
      %select_n3A_125 = arith.select %and3A_122, %add3A_124, %rem3A_110 : vector<16x128xi1>, vector<16x128xi32>
      %eq3A_126 = arith.constant 0 : i32
      %eq3A_127 = vector.broadcast %eq3A_126 : i32 to vector<16x128xi32>
      %eq3A_128 = arith.cmpi eq, %select_n3A_125, %eq3A_127 : vector<16x128xi32>
      %jit3A_129 = arith.constant 0.000000e+00 : f32
      %broadcast_in_dim3A_130 = vector.broadcast %jit3A_129 : f32 to vector<16x128xf32>
      %select_n3A_131 = arith.select %eq3A_128, %add3A_102, %broadcast_in_dim3A_130 : vector<16x128xi1>, vector<16x128xf32>
      %roll3A_132 = arith.constant 1 : i32
      %roll3A_133 = tpu.dynamic_rotate %select_n3A_131 by %roll3A_132 dim 1 : vector<16x128xf32>, i32 -> vector<16x128xf32>
      %add3A_134 = arith.addf %select_n3A_131, %roll3A_133 : vector<16x128xf32>
      %roll3A_135 = arith.constant 2 : i32
      %roll3A_136 = tpu.dynamic_rotate %select_n3A_131 by %roll3A_135 dim 1 : vector<16x128xf32>, i32 -> vector<16x128xf32>
      %add3A_137 = arith.addf %add3A_134, %roll3A_136 : vector<16x128xf32>
      %roll3A_138 = arith.constant 3 : i32
      %roll3A_139 = tpu.dynamic_rotate %select_n3A_131 by %roll3A_138 dim 1 : vector<16x128xf32>, i32 -> vector<16x128xf32>
      %add3A_140 = arith.addf %add3A_137, %roll3A_139 : vector<16x128xf32>
      %mul3A_141 = vector.broadcast %div3A_53 : vector<16x1xf32> to vector<16x128xf32>
      %mul3A_142 = arith.mulf %add3A_93, %mul3A_141 : vector<16x128xf32>
      %mul3A_143 = arith.constant 2.000000e+00 : f32
      %mul3A_144 = vector.broadcast %mul3A_143 : f32 to vector<16x128xf32>
      %mul3A_145 = arith.mulf %mul3A_144, %mul3A_142 : vector<16x128xf32>
      %mul3A_146 = arith.mulf %mul3A_145, %add3A_93 : vector<16x128xf32>
      %sub3A = arith.subf %add3A_140, %mul3A_146 : vector<16x128xf32>
      %mul3A_147 = arith.constant 4.000000e+00 : f32
      %mul3A_148 = vector.broadcast %mul3A_147 : f32 to vector<16x1xf32>
      %mul3A_149 = arith.mulf %get3A_45, %mul3A_148 : vector<16x1xf32>
      %mul3A_150 = vector.broadcast %mul3A_149 : vector<16x1xf32> to vector<16x128xf32>
      %mul3A_151 = arith.mulf %mul3A_150, %mul3A_142 : vector<16x128xf32>
      %mul3A_152 = arith.mulf %mul3A_151, %mul3A_142 : vector<16x128xf32>
      %add3A_153 = arith.addf %sub3A, %mul3A_152 : vector<16x128xf32>
      %mul3A_154 = vector.broadcast %div3A_53 : vector<16x1xf32> to vector<16x128xf32>
      %mul3A_155 = arith.mulf %mul3A_154, %add3A_153 : vector<16x128xf32>
      %add3A_156 = arith.constant 9.99999974E-6 : f32
      %add3A_157 = vector.broadcast %add3A_156 : f32 to vector<16x128xf32>
      %add3A_158 = arith.addf %mul3A_155, %add3A_157 : vector<16x128xf32>
      %rsqrt3A = math.rsqrt %add3A_158 : vector<16x128xf32>
      %get3A_159 = arith.constant 0 : index
      %get3A_160 = arith.constant 0 : index
      %get3A_161 = vector.load %arg6[%get3A_159, %get3A_160] : memref<1x128xf32, #tpu.memory_space<vmem>>, vector<1x128xf32>
      %mul3A_162 = vector.broadcast %get3A_161 : vector<1x128xf32> to vector<16x128xf32>
      %mul3A_163 = arith.mulf %rsqrt3A, %mul3A_162 : vector<16x128xf32>
      %get3A_164 = arith.constant 0 : index
      %get3A_165 = arith.constant 0 : index
      %get3A_166 = vector.load %arg7[%get3A_164, %get3A_165] : memref<1x128xf32, #tpu.memory_space<vmem>>, vector<1x128xf32>
      %mul3A_167 = arith.mulf %mul3A_142, %mul3A_163 : vector<16x128xf32>
      %sub3A_168 = vector.broadcast %get3A_166 : vector<1x128xf32> to vector<16x128xf32>
      %sub3A_169 = arith.subf %sub3A_168, %mul3A_167 : vector<16x128xf32>
      %concatenate3A = tpu.concatenate %mul3A_163, %sub3A_169 in 1 : vector<16x128xf32>, vector<16x128xf32> -> vector<16x256xf32>
      %convert_element_type3A_170 = arith.truncf %concatenate3A : vector<16x256xf32> to vector<16x256xbf16>
      %swap3A_171 = arith.constant 0 : index
      %swap3A_172 = arith.constant 0 : index
      %swap3A_173 = vector.load %arg9[%swap3A_171, %swap3A_172] : memref<16x256xbf16, #tpu.memory_space<vmem>>, vector<16x256xbf16>
      tpu.vector_store %arg9[%swap3A_171, %swap3A_172], %convert_element_type3A_170 {strides = array<i32>} : memref<16x256xbf16, #tpu.memory_space<vmem>>, vector<16x256xbf16>,
    } else {
    }
    %get3A = arith.constant 0 : index
    %get3A_2 = arith.constant 0 : index
    %get3A_3 = vector.load %arg4[%get3A, %get3A_2] : memref<2000x128xf32, #tpu.memory_space<vmem>>, vector<2000x128xf32>
    %get3A_4 = arith.constant 0 : index
    %get3A_5 = arith.constant 0 : index
    %get3A_6 = arith.constant 0 : index
    %get3A_7 = vector.load %arg5[%get3A_4, %get3A_5, %get3A_6] : memref<1x1x2000xi32, #tpu.memory_space<vmem>>, vector<1x1x2000xi32>
    %get3A_8 = vector.shape_cast %get3A_7 : vector<1x1x2000xi32> to vector<2000xi32>
    %iota3A = tpu.iota {dimensions = array<i32: 0>} : vector<16x2000xi32>
    %broadcast_in_dim3A = vector.shape_cast %get3A_8 : vector<2000xi32> to vector<1x2000xi32>
    %eq3A_9 = vector.broadcast %broadcast_in_dim3A : vector<1x2000xi32> to vector<16x2000xi32>
    %eq3A_10 = arith.cmpi eq, %eq3A_9, %iota3A : vector<16x2000xi32>
    %convert_element_type3A_11 = arith.extui %eq3A_10 : vector<16x2000xi1> to vector<16x2000xi32>
    %convert_element_type3A_12 = arith.sitofp %convert_element_type3A_11 : vector<16x2000xi32> to vector<16x2000xf32>
    %convert_element_type3A_13 = arith.truncf %convert_element_type3A_12 : vector<16x2000xf32> to vector<16x2000xbf16>
    %get3A_14 = arith.constant 0 : index
    %get3A_15 = arith.constant 0 : index
    %get3A_16 = vector.load %arg9[%get3A_14, %get3A_15] : memref<16x256xbf16, #tpu.memory_space<vmem>>, vector<16x256xbf16>
    %dot_general3A = arith.constant dense<0.000000e+00> : vector<2000x256xf32>
    %dot_general3A_17 = tpu.matmul %convert_element_type3A_13, %get3A_16, %dot_general3A {dimension_numbers = #tpu.dot_dimension_numbers<[0], [0], [1], [1], [0, 1, 1, 1], [], []>, transpose_lhs_hint = false} : vector<16x2000xbf16>, vector<16x256xbf16>, vector<2000x256xf32> -> vector<2000x256xf32>
    %slice3A = vector.extract_strided_slice %dot_general3A_17 {offsets = [0, 0], sizes = [2000, 128], strides = [1, 1]} : vector<2000x256xf32> to vector<2000x128xf32>
    %mul3A = arith.mulf %get3A_3, %slice3A : vector<2000x128xf32>
    %slice3A_18 = vector.extract_strided_slice %dot_general3A_17 {offsets = [0, 128], sizes = [2000, 128], strides = [1, 1]} : vector<2000x256xf32> to vector<2000x128xf32>
    %add3A = arith.addf %mul3A, %slice3A_18 : vector<2000x128xf32>
    %swap3A = arith.constant 0 : index
    %swap3A_19 = arith.constant 0 : index
    %swap3A_20 = vector.load %arg8[%swap3A, %swap3A_19] : memref<2000x128xf32, #tpu.memory_space<vmem>>, vector<2000x128xf32>
    tpu.vector_store %arg8[%swap3A, %swap3A_19], %add3A {strides = array<i32>} : memref<2000x128xf32, #tpu.memory_space<vmem>>, vector<2000x128xf32>,
    return
  }
  func.func @transform_0(%arg0: i32) -> (i32, i32, i32) {
    %c0_i32 = arith.constant 0 : i32
    %c0_i32_0 = arith.constant 0 : i32
    %c0_i32_1 = arith.constant 0 : i32
    %c0_i32_2 = arith.constant 0 : i32
    return %c0_i32, %c0_i32_0, %c0_i32_1 : i32, i32, i32
  }
  func.func @transform_1(%arg0: i32) -> (i32, i32, i32) {
    %c0_i32 = arith.constant 0 : i32
    %c0_i32_0 = arith.constant 0 : i32
    %c0_i32_1 = arith.constant 0 : i32
    %c0_i32_2 = arith.constant 0 : i32
    return %c0_i32, %c0_i32_0, %c0_i32_1 : i32, i32, i32
  }
  func.func @transform_2(%arg0: i32) -> (i32, i32) {
    %c0_i32 = arith.constant 0 : i32
    %c0_i32_0 = arith.constant 0 : i32
    %c0_i32_1 = arith.constant 0 : i32
    return %c0_i32, %c0_i32_0 : i32, i32
  }
  func.func @transform_3(%arg0: i32) -> (i32, i32) {
    %c0_i32 = arith.constant 0 : i32
    %c0_i32_0 = arith.constant 0 : i32
    return %arg0, %c0_i32 : i32, i32
  }
  func.func @transform_4(%arg0: i32) -> (i32, i32, i32) {
    %c0_i32 = arith.constant 0 : i32
    %c0_i32_0 = arith.constant 0 : i32
    %c0_i32_1 = arith.constant 0 : i32
    return %arg0, %c0_i32, %c0_i32_0 : i32, i32, i32
  }
  func.func @transform_5(%arg0: i32) -> (i32, i32) {
    %c0_i32 = arith.constant 0 : i32
    %c0_i32_0 = arith.constant 0 : i32
    %c0_i32_1 = arith.constant 0 : i32
    return %c0_i32, %c0_i32_0 : i32, i32
  }
  func.func @transform_6(%arg0: i32) -> (i32, i32) {
    %c0_i32 = arith.constant 0 : i32
    %c0_i32_0 = arith.constant 0 : i32
    %c0_i32_1 = arith.constant 0 : i32
    return %c0_i32, %c0_i32_0 : i32, i32
  }
  func.func @transform_7(%arg0: i32) -> (i32, i32) {
    %c0_i32 = arith.constant 0 : i32
    %c0_i32_0 = arith.constant 0 : i32
    return %arg0, %c0_i32 : i32, i32
  }
}

</mosaic_0001>

<sc_bundles>
// kernel: kernel.4.cloned.1.call-start
scs
__scs_entry_jumppad:
0x0: {  	(pc) =	sbr.rel $0x88, $3  }
0x1: {  	(tag) =	ssettag $0x0;
	lr =	simm.s32 $0x1  }
0x2: {  	[smem:$0x3F9D] =	sst lr;
	_ =	strace $0xD0000000  }
0x3: {  	_ = 	snop  }
0x4: {  	_ = 	snop  }
0x5: {  	_ = 	snop  }
0x6: {  	_ = 	snop  }
0x7: {  	_ = 	snop  }
__scs_overlays_trampoline_lowered:
0x8: {  	[smem:$0x3FAC] =	sst s0  }
0x9: {  	[smem:$0x3FAD] =	sst s1  }
0xa: {  	[smem:$0x3FAE] =	sst s2  }
0xb: {  	[smem:$0x3FAF] =	sst s3  }
0xc: {  	[smem:$0x3FB0] =	sst s4  }
0xd: {  	[smem:$0x3FB1] =	sst s5  }
0xe: {  	[smem:$0x3FB2] =	sst s6  }
0xf: {  	[smem:$0x3FB3] =	sst s7  }
0x10: {  	[smem:$0x3FB4] =	sst s8  }
0x11: {  	[smem:$0x3FB5] =	sst s9;
	s0 =	simm.s32 @!p0 $0x0  }
0x12: {  	s1 =	sld [smem:$0x3F9B];
	s0 =	simm.s32 @p0 $0x1  }
0x13: {  	[smem:$0x3FB6] =	sst s0;
	s0 =	simm.s32 @!p1 $0x0  }
0x14: {  	s2 =	sld [smem:$0x3F9A];
	s0 =	simm.s32 @p1 $0x1  }
0x15: {  	[smem:$0x3FB7] =	sst s0;
	s0 =	simm.s32 @!p2 $0x0  }
0x16: {  	s3 =	sld [smem:$0x3FDB];
	s0 =	simm.s32 @p2 $0x1  }
0x17: {  	s4 =	simm.s32 $0x1BF5;
	[smem:$0x3FB9] =	sst s0  }
0x18: {  	s0 =	sld [smem:$0x3F9C];
	_ =	swait.ge [sflag:s4], $0x0  }
0x19: {  	s7 =	sld [smem:$0x3F9D]  }
0x1a: {  	s8 =	sadd.s32 $0xFFFFE003, lr  }
0x1b: {  	s9 =	sadd.s32 $0xFFFFFEF7, lr;
	s5 =	simm.s32 $0xFFFFFFFF;
	p2 =	slt.u32 s8, $0xFFFFF086  }
0x1c: {  	p1 =	slt.u32 s9, $0xF7A;
	s5 =	simm.s32 @!p2 $0x0  }
0x1d: {  	s5 =	simm.s32 @p1 $0x1;
	p0 =	seq.s32 s7, s2  }
0x1e: {  	s7 =	smul.u32 @!p0 $0xF7A, s2;
	p2 =	seq.s32 @!p0 s5, $0x0  }
0x1f: {  	s9 =	smul.u32 $0xF7A, s1;
	s8 =	simm.s32 @!p0 $0x1BF5;
	p2 =	por !p2, p0  }
0x20: {  	[sflag:s8] =	ssyncset.s32 @!p0 $0xFFFFF086;
	s6 =	sadd.s32 @!p0 s3, s7;
	s7 =	simm.s32 @!p0 $0x108  }
0x21: {  	s3 =	sadd.s32 s3, s9;
	s6 =	sadd.s32 @!p0 $0x88, s6;
	s7 =	simm.s32 @p2 $0x1082  }
0x22: {  	[simem:s7], [sflag:s8] =	dma.local @!p0 [hbm:s6], $0xF7A  }
0x23: {  	s9 =	sor.u32 $0xD0000000, s2;
	s6 =	simm.s32 $0x108;
	_ =	swait.ge @!p0 [sflag:s8], $0x0  }
0x24: {  	s3 =	sadd.s32 $0x88, s3;
	s6 =	simm.s32 @!p1 $0x1082;
	[sflag:s4] =	ssyncset.s32 $0xFFFFF086  }
0x25: {  	[simem:s6], [sflag:s4] =	dma.local [hbm:s3], $0xF7A  }
0x26: {  	[smem:$0x3F9D] =	sst s1;
	(tag) =	ssettag s2;
	_ =	strace s9  }
0x27: {  	s1 =	sld [smem:$0x3FAD]  }
0x28: {  	s2 =	sld [smem:$0x3FAE]  }
0x29: {  	s4 =	sld [smem:$0x3FB0]  }
0x2a: {  	p0 =	seq.s32 s5, $0x0;
	s5 =	sld [smem:$0x3FB1]  }
0x2b: {  	s6 =	sld [smem:$0x3FB2]  }
0x2c: {  	s7 =	sld [smem:$0x3FB3]  }
0x2d: {  	s3 =	simm.s32 $0x108;
	s8 =	sld [smem:$0x3FB4]  }
0x2e: {  	s3 =	simm.s32 @!p0 $0x1082;
	s9 =	sld [smem:$0x3FB5]  }
0x2f: {  	lr =	sadd.s32 s0, s3;
	s0 =	sld [smem:$0x3FAC]  }
0x30: {  	s3 =	sld [smem:$0x3FAF]  }
0x31: {  	[smem:$0x3FB8] =	sst s10  }
0x32: {  	s10 =	sld [smem:$0x3FB6];
	_ =	sdelay $0x3  }
0x33: {  	p0 =	seq.s32 s10, $0x1;
	s10 =	sld [smem:$0x3FB8];
	_ =	sdelay $0x3  }
0x34: {  	[smem:$0x3FB8] =	sst s10  }
0x35: {  	s10 =	sld [smem:$0x3FB7];
	_ =	sdelay $0x3  }
0x36: {  	p1 =	seq.s32 s10, $0x1;
	s10 =	sld [smem:$0x3FB8];
	_ =	sdelay $0x3  }
0x37: {  	[smem:$0x3FB8] =	sst s10  }
0x38: {  	s10 =	sld [smem:$0x3FB9]  }
0x39: {  	_ = 	snop;
	(pc) =	sbr.ind lr, $3  }
0x3a: {  	_ = 	snop  }
0x3b: {  	_ = 	snop  }
0x3c: {  	p2 =	seq.s32 s10, $0x1;
	s10 =	sld [smem:$0x3FB8]  }
0x3d: {  	_ =	shalt  }
0x3e: {  	_ =	shalt  }
0x3f: {  	_ =	shalt  }
0x40: {  	_ =	shalt  }
0x41: {  	_ =	shalt  }
0x42: {  	_ =	shalt  }
0x43: {  	_ =	shalt  }
0x44: {  	_ =	shalt  }
0x45: {  	_ =	shalt  }
0x46: {  	_ =	shalt  }
0x47: {  	_ =	shalt  }
0x48: {  	_ =	shalt  }
0x49: {  	_ =	shalt  }
0x4a: {  	_ =	shalt  }
0x4b: {  	_ =	shalt  }
0x4c: {  	_ =	shalt  }
0x4d: {  	_ =	shalt  }
0x4e: {  	_ =	shalt  }
0x4f: {  	_ =	shalt  }
0x50: {  	_ =	shalt  }
0x51: {  	_ =	shalt  }
0x52: {  	_ =	shalt  }
0x53: {  	_ =	shalt  }
0x54: {  	_ =	shalt  }
0x55: {  	_ =	shalt  }
0x56: {  	_ =	shalt  }
0x57: {  	_ =	shalt  }
0x58: {  	_ =	shalt  }
0x59: {  	_ =	shalt  }
0x5a: {  	_ =	shalt  }
0x5b: {  	_ =	shalt  }
0x5c: {  	_ =	shalt  }
0x5d: {  	_ =	shalt  }
0x5e: {  	_ =	shalt  }
0x5f: {  	_ =	shalt  }
0x60: {  	_ =	shalt  }
0x61: {  	_ =	shalt  }
0x62: {  	_ =	shalt  }
0x63: {  	_ =	shalt  }
0x64: {  	_ =	shalt  }
0x65: {  	_ =	shalt  }
0x66: {  	_ =	shalt  }
0x67: {  	_ =	shalt  }
0x68: {  	_ =	shalt  }
0x69: {  	_ =	shalt  }
0x6a: {  	_ =	shalt  }
0x6b: {  	_ =	shalt  }
0x6c: {  	_ =	shalt  }
0x6d: {  	_ =	shalt  }
0x6e: {  	_ =	shalt  }
0x6f: {  	_ =	shalt  }
0x70: {  	_ =	shalt  }
0x71: {  	_ =	shalt  }
0x72: {  	_ =	shalt  }
0x73: {  	_ =	shalt  }
0x74: {  	_ =	shalt  }
0x75: {  	_ =	shalt  }
0x76: {  	_ =	shalt  }
0x77: {  	_ =	shalt  }
0x78: {  	_ =	shalt  }
0x79: {  	_ =	shalt  }
0x7a: {  	_ =	shalt  }
0x7b: {  	_ =	shalt  }
0x7c: {  	_ =	shalt  }
0x7d: {  	_ =	shalt  }
0x7e: {  	_ =	shalt  }
0x7f: {  	_ =	shalt  }
0x80: {  	_ =	shalt  }
0x81: {  	_ =	shalt  }
0x82: {  	_ =	shalt  }
0x83: {  	_ =	shalt  }
0x84: {  	_ =	shalt  }
0x85: {  	_ =	shalt  }
0x86: {  	_ =	shalt  }
0x87: {  	_ =	shalt  }
.Lfunc_end0:
.L_simem_size_0:
called_computation_lowered:
.L_overlay_start_0:
0x88: {  	s2 =	sld [smem:$0x3FD9]  }
0x89: {  	s3 =	sld [smem:$0x3FFE];
	_ =	sdelay $0x1  }
0x8a: {  	s1 =	srdreg.scid  }
0x8b: {  	s0 =	sand.u32 $0x1, s1  }
0x8c: {  	s17 =	sshll.u32 s0, $0xA;
	s2 =	sadd.s32 s3, s2  }
0x8d: {  	s2 =	sadd.s32 s2, s17  }
0x8e: {  	[smem:$0x3FC4] =	sst s2  }
0x8f: {  	_ = 	snop  }
0x90: {  	s2 =	sld [smem:$0x3FC9]  }
0x91: {  	s18 =	sld [smem:$0x3FC8]  }
0x92: {  	s4 =	sld [smem:$0x3FD0];
	(tm) =	ssettm $0x1  }
0x93: {  	s5 =	sld [smem:$0x3FFB];
	_ =	sdelay $0x3  }
0x94: {  	_ =	strace s5  }
0x95: {  	s5 =	sld [smem:$0x3FFC];
	_ =	sdelay $0x3  }
0x96: {  	_ =	strace s5  }
0x97: {  	s5 =	sld [smem:$0x3FFD];
	_ =	sdelay $0x3  }
0x98: {  	_ =	strace s5  }
0x99: {  	_ =	strace $0x8FFFFFFF  }
0x9a: {  	s19 =	sld [smem:$0x3FDB];
	_ =	sdelay $0x1  }
0x9b: {  	s6 =	simm.s32 $_scs_section_size  }
0x9c: {  	s7 =	simm.s32 $_size__tile_overlayer_lowered;
	s8 =	simm.s32 $_tile_overlayer_lowered  }
0x9d: {  	s22 =	simm.s32 $0x1BFF;
	s21 =	sshll.u32 s8, $0x1;
	s5 =	sadd.s32 s6, s19  }
0x9e: {  	s9 =	simm.s32 $0x0;
	s20 =	sshll.u32 s7, $0x1;
	s7 =	sadd.s32 s21, s5  }
0x9f: {  	[timem:s9], [sflag:s22] =	dma.local [hbm:s7], s20  }
0xa0: {  	_ =	swait.ge [sflag:s22], s20  }
0xa1: {  	s6 =	ssub.s32 $0x0, s20;
	[sflag:s22] =	ssyncset.done $0x0  }
0xa2: {  	[sflag:s22] =	ssyncadd.s32 s6;
	_ =	sdelay $0x1  }
0xa3: {  	s23 =	simm.s32 $0x1B8B  }
0xa4: {  	_ =	swait.ge [sflag:s23], $0x1  }
0xa5: {  	[sflag:s23] =	ssyncset.done $0x0  }
0xa6: {  	s25 =	simm.s32 $0x1B8E;
	s24 =	sld [smem:$0x3FFE];
	[sflag:s23] =	ssyncadd.s32 $0xFFFFFFFF  }
0xa7: {  	s26 =	simm.s32 $execute0_lowered;
	[smem:$0x3FD2] =	sst s25  }
0xa8: {  	s7 =	sshll.u32 s26, $0x1;
	_ =	strace $0x80000046;
	[dreg:$0x1] =	wrdreg $0xFFFFFFFF  }
0xa9: {  	s28 =	simm.s32 $_size_execute0_lowered;
	s5 =	sadd.s32 s5, s7;
	[dreg:$0x0] =	wrdreg $0x0  }
0xaa: {  	s7 =	sshll.u32 s28, $0x1;
	[dreg:$0x2] =	wrdreg s5  }
0xab: {  	[dreg:$0x3] =	wrdreg s7  }
0xac: {  	[dreg:$0x4] =	wrdreg $0xC0  }
0xad: {  	_ =	task [dreg:s9], $0x5FFFF  }
0xae: {  	[dreg:$0x1] =	wrdreg $0xFFFFFFFF  }
0xaf: {  	[dreg:$0x0] =	wrdreg $0x60  }
0xb0: {  	[dreg:$0x2] =	wrdreg s2  }
0xb1: {  	[dreg:$0x3] =	wrdreg s18  }
0xb2: {  	[dreg:$0x4] =	wrdreg s4  }
0xb3: {  	[dreg:$0x5] =	wrdreg s24  }
0xb4: {  	[dreg:$0x6] =	wrdreg $0x58800  }
0xb5: {  	[dreg:$0x7] =	wrdreg $0x59000  }
0xb6: {  	[dreg:$0x8] =	wrdreg $0x9  }
0xb7: {  	_ =	task.clear_ibuf [dreg:s9], $0x9FFFF;
	_ =	strace $0x90000046  }
0xb8: {  	s29 =	simm.s32 $0x9;
	_ =	strace $0x80000048  }
0xb9: {  	_ =	swait.ge [sflag:s29], $0x1  }
0xba: {  	[sflag:s29] =	ssyncadd.s32 $0xFFFFFFFF  }
0xbb: {  	_ =	strace $0x90000048  }
0xbc: {  	_ =	sfence  }
0xbd: {  	s30 =	sld [smem:$0x0];
	_ =	sdelay $0x2  }
0xbe: {  	s31 =	sshll.u32 s1, $0xD;
	s1 =	sshrl.u32 s1, $0x2  }
0xbf: {  	s3 =	sand.u32 $0x4000, s31;
	s1 =	sadd.s32 s1, s30  }
0xc0: {  	s0 =	sor.u32 s3, s0;
	s1 =	sshll.u32 s1, $0x11  }
0xc1: {  	s0 =	sor.u32 s1, s0  }
0xc2: {  	s0 =	sadd.s32 $0x8F2B, s0  }
0xc3: {  	[sflag:s0] =	ssyncadd.remote.s32 $0x1  }
0xc4: {  	_ =	sfence.sel $0xFFFF  }
0xc5: {  	[dreg:$0x0] =	wrdreg $0xFFFFFFFF;
	(pc) =	sbr.abs _section_cstart, $3  }
0xc6: {  	[dreg:$0x1] =	wrdreg $0xFFFFFFFF  }
0xc7: {  	_ =	task.clear_ibuf [dreg:s9], $0x2FFFF;
	_ =	strace $0x9FFFFFFF  }
0xc8: {  	(tm) =	ssettm $0x7FFFFFFF  }
0xc9: {  	_ =	shalt  }
tec
execute0_lowered:
.L_overlay_start_1:
0x0: {  	(tag) =	ssettag $0x1  }
0x1: {  	s0 =	rddreg [dreg:$0x0]  }
0x2: {  	s2 =	rddreg [dreg:$0x1]  }
0x3: {  	s8 =	rddreg [dreg:$0x2]  }
0x4: {  	s7 =	rddreg [dreg:$0x3]  }
0x5: {  	s3 =	rddreg [dreg:$0x4]  }
0x6: {  	s4 =	rddreg [dreg:$0x5]  }
0x7: {  	s1 =	rddreg [dreg:$0x6];
	s5 =	simm.s32 $0x0  }
0x8: {  	s6 =	srdreg.scid;
	s11 =	stileid.u32;
	s14 =	simm.s32 $0x2  }
0x9: {  	s15 =	simm.s32 $0x50;
	s16 =	simm.s32 $0x2800;
	[smem:$0x7FF] =	sst s5  }
0xa: {  	s6 =	sand.u32 $0x1, s6;
	p0 =	sne.s32 s11, $0x0;
	_ =	strace $0x80000047  }
.Ltmp0:
0xb: {  	s9 =	ssub.s32 $0x2, s6;
	s10 =	sshll.u32 s6, $0x8;
	(pc) =	sbr.rel .LBB2_1-.Ltmp0, $4  }
0xc: {  	s17 =	sshrl.u32 @!p0 s3, $0x3;
	s18 =	sshrl.u32 @!p0 s4, $0x3;
	s12 =	sshrl.u32 s9, $0x1  }
0xd: {  	s13 =	sadd.s32 s10, s7;
	s7 =	sshll.u32 s11, $0x1;
	s8 =	sadd.s32 s8, s10  }
0xe: {  	s11 =	simm.s32 $0x5080;
	s12 =	ssub.s32 s9, s12;
	s9 =	sadd.s32 $0x1600, s13  }
0xf: {  	v0 =	vimm.f32 $0.0e+00;
	s13 =	simm.s32 $0x5000;
	s10 =	smax.u32 s12, $0x1;
	s12 =	simm.s32 $0x1  }
.LBB2_9:
0x10: {  	[bflag:$0x0] =	sbarrier.arrive $0xFFFF;
	s19 =	simm.s32 @!p0 $0x1C01;
	s20 =	simm.s32 @!p0 $0x1  }
0x11: {  	[hbm:s8], [sflag:s19] =	dma.local @!p0 [spmem:s17], $0x100  }
0x12: {  	s5 =	sadd.s32 $0x1, s5;
	_ =	swait.ge @!p0 [sflag:s20], $0x100  }
0x13: {  	p1 =	sne.s32 s5, s10;
	[sflag:s20] =	ssyncset.done @!p0 $0x0  }
.Ltmp1:
0x14: {  	[sflag:s20] =	ssyncadd.s32 @!p0 $0xFFFFFF00;
	(pc) =	sbr.rel @!p1 .LBB2_10-.Ltmp1, $4  }
0x15: {  	[hbm:s9], [sflag:s19] =	dma.local @!p0 [spmem:s18], $0x100  }
0x16: {  	_ =	swait.ge @!p0 [sflag:s20], $0x100  }
0x17: {  	[sflag:s20] =	ssyncset.done @!p0 $0x0  }
0x18: {  	[sflag:s20] =	ssyncadd.s32 @!p0 $0xFFFFFF00  }
.LBB2_1:
.Ltmp2:
0x19: {  	(pc) =	sbr.rel @p0 .LBB2_3-.Ltmp2, $1  }
0x1a: {  	_ =	sdelay $0x3  }
0x1b: {  	[tilespmem:$0x5080] =	vst v0  }
0x1c: {  	[tilespmem:$0x5090] =	vst v0  }
0x1d: {  	[tilespmem:$0x50A0] =	vst v0  }
0x1e: {  	[tilespmem:$0x50B0] =	vst v0  }
0x1f: {  	[tilespmem:$0x50C0] =	vst v0  }
0x20: {  	[tilespmem:$0x50D0] =	vst v0  }
0x21: {  	[tilespmem:$0x50E0] =	vst v0  }
0x22: {  	[tilespmem:$0x50F0] =	vst v0  }
0x23: {  	[tilespmem:$0x5100] =	vst v0  }
0x24: {  	[tilespmem:$0x5110] =	vst v0  }
0x25: {  	[tilespmem:$0x5120] =	vst v0  }
0x26: {  	[tilespmem:$0x5130] =	vst v0  }
0x27: {  	[tilespmem:$0x5140] =	vst v0  }
0x28: {  	[tilespmem:$0x5150] =	vst v0  }
0x29: {  	[tilespmem:$0x5160] =	vst v0  }
0x2a: {  	[tilespmem:$0x5170] =	vst v0  }
0x2b: {  	[tilespmem:$0x5180] =	vst v0  }
0x2c: {  	[tilespmem:$0x5190] =	vst v0  }
0x2d: {  	[tilespmem:$0x51A0] =	vst v0  }
0x2e: {  	[tilespmem:$0x51B0] =	vst v0  }
0x2f: {  	[tilespmem:$0x51C0] =	vst v0  }
0x30: {  	[tilespmem:$0x51D0] =	vst v0  }
0x31: {  	[tilespmem:$0x51E0] =	vst v0  }
0x32: {  	[tilespmem:$0x51F0] =	vst v0  }
0x33: {  	[tilespmem:$0x5200] =	vst v0  }
0x34: {  	[tilespmem:$0x5210] =	vst v0  }
0x35: {  	[tilespmem:$0x5220] =	vst v0  }
0x36: {  	[tilespmem:$0x5230] =	vst v0  }
0x37: {  	[tilespmem:$0x5240] =	vst v0  }
0x38: {  	[tilespmem:$0x5250] =	vst v0  }
0x39: {  	[tilespmem:$0x5260] =	vst v0  }
0x3a: {  	[tilespmem:$0x5270] =	vst v0  }
0x3b: {  	[tilespmem:$0x5280] =	vst v0  }
0x3c: {  	[tilespmem:$0x5290] =	vst v0  }
0x3d: {  	[tilespmem:$0x52A0] =	vst v0  }
0x3e: {  	[tilespmem:$0x52B0] =	vst v0  }
0x3f: {  	[tilespmem:$0x52C0] =	vst v0  }
0x40: {  	[tilespmem:$0x52D0] =	vst v0  }
0x41: {  	[tilespmem:$0x52E0] =	vst v0  }
0x42: {  	[tilespmem:$0x52F0] =	vst v0  }
0x43: {  	[tilespmem:$0x5300] =	vst v0  }
0x44: {  	[tilespmem:$0x5310] =	vst v0  }
0x45: {  	[tilespmem:$0x5320] =	vst v0  }
0x46: {  	[tilespmem:$0x5330] =	vst v0  }
0x47: {  	[tilespmem:$0x5340] =	vst v0  }
0x48: {  	[tilespmem:$0x5350] =	vst v0  }
0x49: {  	[tilespmem:$0x5360] =	vst v0  }
0x4a: {  	[tilespmem:$0x5370] =	vst v0  }
0x4b: {  	[tilespmem:$0x5380] =	vst v0  }
0x4c: {  	[tilespmem:$0x5390] =	vst v0  }
0x4d: {  	[tilespmem:$0x53A0] =	vst v0  }
0x4e: {  	[tilespmem:$0x53B0] =	vst v0  }
0x4f: {  	[tilespmem:$0x53C0] =	vst v0  }
0x50: {  	[tilespmem:$0x53D0] =	vst v0  }
0x51: {  	[tilespmem:$0x53E0] =	vst v0  }
0x52: {  	[tilespmem:$0x53F0] =	vst v0  }
0x53: {  	[tilespmem:$0x5400] =	vst v0  }
0x54: {  	[tilespmem:$0x5410] =	vst v0  }
0x55: {  	[tilespmem:$0x5420] =	vst v0  }
0x56: {  	[tilespmem:$0x5430] =	vst v0  }
0x57: {  	[tilespmem:$0x5440] =	vst v0  }
0x58: {  	[tilespmem:$0x5450] =	vst v0  }
0x59: {  	[tilespmem:$0x5460] =	vst v0  }
0x5a: {  	[tilespmem:$0x5470] =	vst v0  }
0x5b: {  	[tilespmem:$0x5480] =	vst v0  }
0x5c: {  	[tilespmem:$0x5490] =	vst v0  }
0x5d: {  	[tilespmem:$0x54A0] =	vst v0  }
0x5e: {  	[tilespmem:$0x54B0] =	vst v0  }
0x5f: {  	[tilespmem:$0x54C0] =	vst v0  }
0x60: {  	[tilespmem:$0x54D0] =	vst v0  }
0x61: {  	[tilespmem:$0x54E0] =	vst v0  }
0x62: {  	[tilespmem:$0x54F0] =	vst v0  }
0x63: {  	[tilespmem:$0x5500] =	vst v0  }
0x64: {  	[tilespmem:$0x5510] =	vst v0  }
0x65: {  	[tilespmem:$0x5520] =	vst v0  }
0x66: {  	[tilespmem:$0x5530] =	vst v0  }
0x67: {  	[tilespmem:$0x5540] =	vst v0  }
0x68: {  	[tilespmem:$0x5550] =	vst v0  }
0x69: {  	[tilespmem:$0x5560] =	vst v0  }
0x6a: {  	[tilespmem:$0x5570] =	vst v0  }
0x6b: {  	[tilespmem:$0x5580] =	vst v0  }
0x6c: {  	[tilespmem:$0x5590] =	vst v0  }
0x6d: {  	[tilespmem:$0x55A0] =	vst v0  }
0x6e: {  	[tilespmem:$0x55B0] =	vst v0  }
0x6f: {  	[tilespmem:$0x55C0] =	vst v0  }
0x70: {  	[tilespmem:$0x55D0] =	vst v0  }
0x71: {  	[tilespmem:$0x55E0] =	vst v0  }
0x72: {  	[tilespmem:$0x55F0] =	vst v0  }
0x73: {  	[tilespmem:$0x5600] =	vst v0  }
0x74: {  	[tilespmem:$0x5610] =	vst v0  }
0x75: {  	[tilespmem:$0x5620] =	vst v0  }
0x76: {  	[tilespmem:$0x5630] =	vst v0  }
0x77: {  	[tilespmem:$0x5640] =	vst v0  }
0x78: {  	[tilespmem:$0x5650] =	vst v0  }
0x79: {  	[tilespmem:$0x5660] =	vst v0  }
0x7a: {  	[tilespmem:$0x5670] =	vst v0  }
0x7b: {  	[tilespmem:$0x5680] =	vst v0  }
0x7c: {  	[tilespmem:$0x5690] =	vst v0  }
0x7d: {  	[tilespmem:$0x56A0] =	vst v0  }
0x7e: {  	[tilespmem:$0x56B0] =	vst v0  }
0x7f: {  	[tilespmem:$0x56C0] =	vst v0  }
0x80: {  	[tilespmem:$0x56D0] =	vst v0  }
0x81: {  	[tilespmem:$0x56E0] =	vst v0  }
0x82: {  	[tilespmem:$0x56F0] =	vst v0  }
0x83: {  	[tilespmem:$0x5700] =	vst v0  }
0x84: {  	[tilespmem:$0x5710] =	vst v0  }
0x85: {  	[tilespmem:$0x5720] =	vst v0  }
0x86: {  	[tilespmem:$0x5730] =	vst v0  }
0x87: {  	[tilespmem:$0x5740] =	vst v0  }
0x88: {  	[tilespmem:$0x5750] =	vst v0  }
0x89: {  	[tilespmem:$0x5760] =	vst v0  }
0x8a: {  	[tilespmem:$0x5770] =	vst v0  }
0x8b: {  	[tilespmem:$0x5780] =	vst v0  }
0x8c: {  	[tilespmem:$0x5790] =	vst v0  }
0x8d: {  	[tilespmem:$0x57A0] =	vst v0  }
0x8e: {  	[tilespmem:$0x57B0] =	vst v0  }
0x8f: {  	[tilespmem:$0x57C0] =	vst v0  }
0x90: {  	[tilespmem:$0x57D0] =	vst v0  }
0x91: {  	[tilespmem:$0x57E0] =	vst v0  }
0x92: {  	[tilespmem:$0x57F0] =	vst v0  }
0x93: {  	[tilespmem:$0x5800] =	vst v0  }
0x94: {  	[tilespmem:$0x5810] =	vst v0  }
0x95: {  	[tilespmem:$0x5820] =	vst v0  }
0x96: {  	[tilespmem:$0x5830] =	vst v0  }
0x97: {  	[tilespmem:$0x5840] =	vst v0  }
0x98: {  	[tilespmem:$0x5850] =	vst v0  }
0x99: {  	[tilespmem:$0x5860] =	vst v0  }
0x9a: {  	[tilespmem:$0x5870] =	vst v0  }
0x9b: {  	[spmem:s3] =	stream.linear.scatter [tilespmem:s11], [sflag:$0x1], $0x800, $0x38;
	[tilespmem:$0x5980] =	vst v63  }
0x9c: {  	_ =	swait.ge [sflag:s12], $0x800  }
0x9d: {  	[sflag:s12] =	ssyncset.done $0x0  }
0x9e: {  	[sflag:s12] =	ssyncadd.s32 $0xFFFFF800  }
0x9f: {  	[spmem:s4] =	stream.linear.scatter [tilespmem:s11], [sflag:$0x1], $0x800, $0x38;
	[tilespmem:$0x5980] =	vst v63  }
0xa0: {  	_ =	swait.ge [sflag:s12], $0x800  }
0xa1: {  	[sflag:s12] =	ssyncset.done $0x0  }
0xa2: {  	[sflag:s12] =	ssyncadd.s32 $0xFFFFF800  }
.LBB2_3:
.Ltmp3:
0xa3: {  	(pc) =	sbr.rel .LBB2_4-.Ltmp3, $3  }
0xa4: {  	_ =	sdelay $0x1  }
0xa5: {  	[bflag:$0x0] =	sbarrier.arrive $0xFFFF  }
0xa6: {  	s19 =	simm.s32 $0x0  }
.LBB2_8:
0xa7: {  	s19 =	sadd.s32 $0x1, s19  }
0xa8: {  	p1 =	sne.s32 s19, $0x28  }
.Ltmp4:
0xa9: {  	_ = 	snop;
	(pc) =	sbr.rel @!p1 .LBB2_9-.Ltmp4, $1  }
0xaa: {  	_ =	sdelay $0x3  }
.LBB2_4:
0xab: {  	s20 =	sshll.u32 s19, $0x5  }
0xac: {  	s20 =	sor.u32 s7, s20  }
0xad: {  	p1 =	sgt.u32 s20, $0x4E1  }
.Ltmp5:
0xae: {  	_ = 	snop;
	(pc) =	sbr.rel @p1 .LBB2_8-.Ltmp5, $1  }
0xaf: {  	_ =	sdelay $0x3  }
0xb0: {  	s20 =	sor.u32 s6, s20  }
0xb1: {  	s21 =	smul.u32 $0xA, s20;
	_ =	sdelay $0x1  }
0xb2: {  	s22 =	simm.s32 $0x0;
	s21 =	sadd.s32 s2, s21  }
0xb3: {  	[tilespmem:s13], [sflag:$0x2] =	stream.linear.gather [hbm4b:s21+s22], $0x50, $0x38;
	[tilespmem:$0x5980] =	vst v63  }
0xb4: {  	s20 =	smul.u32 $0x500, s20;
	_ =	swait.ge [sflag:s14], $0x50  }
0xb5: {  	[sflag:s14] =	ssyncset.done $0x0  }
0xb6: {  	s20 =	sadd.s32 s0, s20;
	[sflag:s14] =	ssyncadd.s32 $0xFFFFFFB0  }
0xb7: {  	[tilespmem:s22], [sflag:$0x2] =	stream.linear.gather [hbm4b:s20+s22], $0x2800, $0x38;
	[tilespmem:$0x5980] =	vst v63  }
0xb8: {  	_ =	swait.ge [sflag:s14], $0x2800  }
0xb9: {  	[sflag:s14] =	ssyncset.done $0x0  }
0xba: {  	[sflag:s14] =	ssyncadd.s32 $0xFFFFD800  }
0xbb: {  	[spmem:s3] =	stream.indirect.scatter.add.f32 [tilespmem:s22], [sflag:$0x2], $0x80, s13, s15, $0xb8;
	[tilespmem:$0x5980] =	vst v63  }
0xbc: {  	_ =	swait.ge [sflag:s14], $0x2800  }
0xbd: {  	[sflag:s14] =	ssyncset.done $0x0  }
0xbe: {  	s21 =	simm.s32 $0x0;
	[sflag:s14] =	ssyncadd.s32 $0xFFFFD800  }
0xbf: {  	v2 =	vld [tilespmem:s21+$0x70]  }
0xc0: {  	v6 =	vld [tilespmem:s21+$0x0]  }
0xc1: {  	v7 =	vld [tilespmem:s21+$0x10]  }
0xc2: {  	v5 =	vld [tilespmem:s21+$0x20]  }
0xc3: {  	v4 =	vld [tilespmem:s21+$0x30]  }
0xc4: {  	v1 =	vld [tilespmem:s21+$0x40];
	v8 =	vmul.f32 v2, v2  }
0xc5: {  	v2 =	vld [tilespmem:s21+$0x50];
	v6 =	vmul.f32 v6, v6  }
0xc6: {  	s20 =	simm.s32 $0x80;
	s22 =	simm.s32 $0x400;
	v3 =	vld [tilespmem:s21+$0x60];
	v7 =	vmul.f32 v7, v7;
	[tilespmem:s21+$0x2870] =	vst v8  }
.LBB2_6:
0xc7: {  	p1 =	sne.s32 s22, $0x9E00;
	v8 =	vld [tilespmem:s20+$0x70];
	[tilespmem:s21+$0x2800] =	vst v6;
	v5 =	vmul.f32 v5, v5  }
0xc8: {  	v6 =	vld [tilespmem:s20+$0x0];
	[tilespmem:s21+$0x2810] =	vst v7;
	v4 =	vmul.f32 v4, v4  }
0xc9: {  	v7 =	vld [tilespmem:s20+$0x10];
	[tilespmem:s21+$0x2820] =	vst v5;
	v1 =	vmul.f32 v1, v1  }
.Ltmp6:
0xca: {  	v5 =	vld [tilespmem:s20+$0x20];
	[tilespmem:s21+$0x2830] =	vst v4;
	v2 =	vmul.f32 v2, v2;
	(pc) =	sbr.rel @p1 .LBB2_6-.Ltmp6, $4  }
0xcb: {  	v4 =	vld [tilespmem:s20+$0x30];
	[tilespmem:s21+$0x2840] =	vst v1;
	v3 =	vmul.f32 v3, v3  }
0xcc: {  	v1 =	vld [tilespmem:s20+$0x40];
	v8 =	vmul.f32 v8, v8;
	[tilespmem:s21+$0x2850] =	vst v2  }
0xcd: {  	v6 =	vmul.f32 v6, v6;
	v2 =	vld [tilespmem:s20+$0x50];
	[tilespmem:s21+$0x2860] =	vst v3;
	s21 =	smov.u32 s20  }
0xce: {  	s20 =	sshra.s32 s22, $0x2;
	s22 =	sadd.s32 $0x200, s22;
	v7 =	vmul.f32 v7, v7;
	v3 =	vld [tilespmem:s21+$0x60];
	[tilespmem:s21+$0x2870] =	vst v8  }
0xcf: {  	v8 =	vld [tilespmem:s20+$0x70];
	[tilespmem:s21+$0x2800] =	vst v6;
	v5 =	vmul.f32 v5, v5  }
0xd0: {  	v6 =	vld [tilespmem:s20+$0x0];
	[tilespmem:s21+$0x2810] =	vst v7;
	v4 =	vmul.f32 v4, v4  }
0xd1: {  	v7 =	vld [tilespmem:s20+$0x10];
	[tilespmem:s21+$0x2820] =	vst v5;
	v1 =	vmul.f32 v1, v1  }
0xd2: {  	v5 =	vld [tilespmem:s20+$0x20];
	[tilespmem:s21+$0x2830] =	vst v4;
	v2 =	vmul.f32 v2, v2  }
0xd3: {  	v4 =	vld [tilespmem:s20+$0x30];
	[tilespmem:s21+$0x2840] =	vst v1;
	v3 =	vmul.f32 v3, v3  }
0xd4: {  	v1 =	vld [tilespmem:s20+$0x40];
	[tilespmem:s21+$0x2850] =	vst v2;
	v8 =	vmul.f32 v8, v8  }
0xd5: {  	v2 =	vld [tilespmem:s20+$0x50];
	[tilespmem:s21+$0x2860] =	vst v3;
	v3 =	vmul.f32 v6, v6  }
0xd6: {  	v63 =	vld [tilespmem:s20+$0x60];
	v7 =	vmul.f32 v7, v7;
	[tilespmem:s20+$0x2870] =	vst v8  }
0xd7: {  	[tilespmem:s20+$0x2800] =	vst v3;
	v3 =	vmul.f32 v5, v5  }
0xd8: {  	[tilespmem:s20+$0x2810] =	vst v7;
	v4 =	vmul.f32 v4, v4  }
0xd9: {  	[tilespmem:s20+$0x2820] =	vst v3;
	v1 =	vmul.f32 v1, v1  }
0xda: {  	[tilespmem:s20+$0x2830] =	vst v4;
	v2 =	vmul.f32 v2, v2  }
0xdb: {  	[tilespmem:s20+$0x2840] =	vst v1;
	v1 =	vmul.f32 v63, v63  }
0xdc: {  	[tilespmem:s20+$0x2850] =	vst v2  }
.Ltmp7:
0xdd: {  	[tilespmem:s20+$0x2860] =	vst v1;
	(pc) =	sbr.rel .LBB2_8-.Ltmp7, $4  }
0xde: {  	[spmem:s4] =	stream.indirect.scatter.add.f32 [tilespmem:s16], [sflag:$0x1], $0x80, s13, s15, $0xb8;
	[tilespmem:$0x5980] =	vst v63  }
0xdf: {  	_ =	swait.ge [sflag:s12], $0x2800  }
0xe0: {  	[sflag:s12] =	ssyncset.done $0x0  }
0xe1: {  	[sflag:s12] =	ssyncadd.s32 $0xFFFFD800  }
.LBB2_10:
0xe2: {  	_ =	sfence.sel $0x180000  }
0xe3: {  	[bflag:$0x0] =	sbarrier.arrive $0xFFFF  }
0xe4: {  	_ =	strace $0x90000047  }
0xe5: {  	s0 =	sadd.s32 @!p0 $0x100000, s1;
	[bflag:$0x2] =	sbarrier.arrive $0xFFFF  }
0xe6: {  	[sflag:s0] =	ssyncadd.tile.s32 @!p0 $0x1;
	_ =	shalt  }
.Lfunc_end2:
_tile_overlayer_lowered:
.L_overlay_start_2:
0xe7: {  	(tag) =	ssettag $0x2  }
0xe8: {  	s0 =	rddreg [dreg:$0x0];
	s2 =	stileid.u32  }
0xe9: {  	s1 =	rddreg [dreg:$0x1];
	p0 =	sne.s32 s2, $0x0  }
0xea: {  	s3 =	rddreg [dreg:$0x2];
	[bflag:$0x3] =	sbarrier.arrive $0xFFFF;
	s2 =	simm.s32 @!p0 $0x1C01  }
0xeb: {  	[timem:s3], [sflag:s2] =	dma.local @!p0 [hbm:s0], s1  }
0xec: {  	s0 =	simm.s32 @!p0 $0x1  }
0xed: {  	_ =	swait.ge @!p0 [sflag:s0], s1  }
0xee: {  	s1 =	ssub.s32 @!p0 $0x0, s1;
	[sflag:s0] =	ssyncset.done @!p0 $0x0  }
0xef: {  	[sflag:s0] =	ssyncadd.s32 @!p0 s1  }
0xf0: {  	[bflag:$0x3] =	sbarrier.arrive $0xFFFF  }
0xf1: {  	_ =	shalt  }

</sc_bundles>
